<compile_context>
chip_gen: v7x
topology: tpu7x:2x2x1
jax: 0.10.2.dev20260603
libtpu: 0.0.44.dev20260713+nightly
codegen_flags: <defaults>
</compile_context>

<pallas_src>
import functools

import jax
import jax.numpy as jnp
from jax import lax
from jax.experimental import pallas as pl
from jax.experimental.pallas import tpu as pltpu
from jax.experimental.pallas import tpu_sc as plsc

LANES = 16
NC, NS = 2, 16
NW = NC * NS
CH = 128


def _rsqrt_newton(a):
    ai = plsc.bitcast(a, jnp.int32)
    yi = jnp.int32(0x5F3759DF) - lax.shift_right_logical(ai, 1)
    y = plsc.bitcast(yi, jnp.float32)
    half = a * 0.5
    for _ in range(3):
        y = y * (1.5 - half * y * y)
    return y


def _make_kernel(N, V, E, L_seq, NSEG):
    per_w = N // NW
    n_ch = per_w // CH
    ne = E // LANES

    mesh = plsc.VectorSubcoreMesh(core_axis_name="c", subcore_axis_name="s")

    @functools.partial(
        pl.kernel,
        out_type=jax.ShapeDtypeStruct((N, E), jnp.float32),
        mesh=mesh,
        compiler_params=pltpu.CompilerParams(needs_layout_passes=False),
        scratch_types=[
            pltpu.VMEM((L_seq, E), jnp.float32),
            pltpu.VMEM((NSEG, E), jnp.float32),
            pltpu.VMEM((E,), jnp.float32),
            pltpu.VMEM((E,), jnp.float32),
            pltpu.VMEM((CH + LANES,), jnp.int32),
            pltpu.VMEM((CH,), jnp.int32),
            pltpu.VMEM((CH + LANES,), jnp.int32),
            pltpu.VMEM((CH, 2 * E), jnp.float32),
            pltpu.VMEM((CH, E), jnp.float32),
            pltpu.SemaphoreType.DMA,
        ],
    )
    def body(x_hbm, s_hbm, wtab, stab, ptab, g_hbm, b_hbm, out_hbm,
             pos_v, seg_v, g_v, b_v, xi_v, xh_v, si_v, rows_v, out_v, sem):
        wid = lax.axis_index("s") * NC + lax.axis_index("c")
        w_base = wid * per_w

        pltpu.sync_copy(ptab.at[pl.ds(0, L_seq)], pos_v)
        pltpu.sync_copy(stab, seg_v)
        pltpu.sync_copy(g_hbm, g_v)
        pltpu.sync_copy(b_hbm, b_v)

        sr0 = [seg_v[0, pl.ds(e * LANES, LANES)] for e in range(ne)]
        sr1 = [seg_v[1, pl.ds(e * LANES, LANES)] for e in range(ne)]
        gv = [g_v[pl.ds(e * LANES, LANES)] for e in range(ne)]
        bv = [b_v[pl.ds(e * LANES, LANES)] for e in range(ne)]
        inv_e = jnp.float32(1.0 / E)

        def chunk(c, _):
            base = w_base + c * CH
            pltpu.sync_copy(x_hbm.at[pl.ds(base, CH)], xi_v.at[pl.ds(0, CH)])
            pltpu.sync_copy(s_hbm.at[pl.ds(base, CH)], si_v.at[pl.ds(0, CH)])
            for q in range(CH // LANES):
                sl = pl.ds(q * LANES, LANES)
                xh_v[sl] = lax.shift_right_logical(xi_v[sl], 1)
            pltpu.async_copy(wtab.at[xh_v], rows_v, sem).wait()

            @plsc.parallel_loop(0, CH, step=1, unroll=2)
            def _(j):
                g = base + j
                pi = lax.rem(g, L_seq)
                sv = si_v[pl.ds(j, LANES)][0]
                xv = xi_v[pl.ds(j, LANES)][0]
                off = (xv & 1) * E
                t = []
                for e in range(ne):
                    w = rows_v[j, pl.ds(off + e * LANES, LANES)]
                    p = pos_v[pi, pl.ds(e * LANES, LANES)]
                    s = seg_v[sv, pl.ds(e * LANES, LANES)]
                    t.append(w + p + s)
                tot = jnp.sum((t[0] + t[1]) + (t[2] + t[3]))
                sq = jnp.sum((t[0] * t[0] + t[1] * t[1])
                             + (t[2] * t[2] + t[3] * t[3]))
                mean = tot * inv_e
                var = sq * inv_e - mean * mean
                rv = _rsqrt_newton(jnp.full((LANES,), var + 1e-5))
                mv = jnp.full((LANES,), mean)
                for e in range(ne):
                    out_v[j, pl.ds(e * LANES, LANES)] = (
                        (t[e] - mv) * rv * gv[e] + bv[e])

            pltpu.sync_copy(out_v, out_hbm.at[pl.ds(base, CH)])
            return 0

        lax.fori_loop(0, n_ch, chunk, 0)

    return body


def kernel(X, seg, word_embd, segment_embd, position_embd, gamma, beta):
    B, L_seq = X.shape
    V, E = word_embd.shape
    NSEG = segment_embd.shape[0]
    N = B * L_seq
    xf = X.reshape(-1).astype(jnp.int32)
    sf = seg.reshape(-1).astype(jnp.int32)
    wtab2 = word_embd.reshape(V // 2, 2 * E)
    k = _make_kernel(N, V, E, L_seq, NSEG)
    out = k(xf, sf, wtab2, segment_embd, position_embd, gamma, beta)
    return out.reshape(B, L_seq, E)

# --- scband reference (transcript-rebuilt; emitter-appended) ---
"""Pipeline reference for scband-bert-embedding-9775345566312 (READ-ONLY COPY).

The authoritative reference and input builder live on the scoring server;
editing this copy changes nothing except your own understanding.
"""

import jax, jax.numpy as jnp
import numpy as np

VOCAB = 100000
MAX_LEN = 500
EMBD = 64
NUM_SEG = 2
B, L = 4096, 200


def setup_inputs(seed: int = 0) -> dict:
    key = jax.random.key(seed)
    k1, k2, k3, k4, k5 = jax.random.split(key, 5)
    X = jax.random.randint(k1, (B, L), 0, VOCAB)
    seg = jax.random.randint(k2, (B, L), 0, NUM_SEG)
    word_embd = jax.random.normal(k3, (VOCAB, EMBD), dtype=jnp.float32) * 0.02
    segment_embd = jax.random.normal(k4, (NUM_SEG, EMBD), dtype=jnp.float32) * 0.02
    position_embd = jax.random.normal(k5, (MAX_LEN, EMBD), dtype=jnp.float32) * 0.02
    gamma = jnp.ones((EMBD,), dtype=jnp.float32)
    beta = jnp.zeros((EMBD,), dtype=jnp.float32)
    return {"X": X, "seg": seg, "word_embd": word_embd, "segment_embd": segment_embd,
            "position_embd": position_embd, "gamma": gamma, "beta": beta}


def reference(X, seg, word_embd, segment_embd, position_embd, gamma, beta):
    seq_len = X.shape[1]
    pos = jnp.arange(seq_len)[None, :]  # (1, L), broadcasts like expand_as
    embd_sum = (jnp.take(word_embd, X, axis=0)
                + jnp.take(position_embd, pos, axis=0)
                + jnp.take(segment_embd, seg, axis=0))
    mean = jnp.mean(embd_sum, axis=-1, keepdims=True)
    var = jnp.mean((embd_sum - mean) ** 2, axis=-1, keepdims=True)
    norm = (embd_sum - mean) / jnp.sqrt(var + 1e-5)
    return norm * gamma + beta

if __name__ == "__main__":
    import jax
    _d = setup_inputs()
    print(jax.jit(kernel)(*tuple(_d.values())))

</pallas_src>

<mosaic_0001>
#map = affine_map<(d0, d1) -> (0)>
#map1 = affine_map<(d0, d1) -> (0, 0)>
module attributes {stable_mosaic.version = 14 : i64} {
  func.func @body(%arg0: i32, %arg1: i32, %arg2: memref<819200xi32, #tpu.memory_space<hbm>>, %arg3: memref<819200xi32, #tpu.memory_space<hbm>>, %arg4: memref<50000x128xf32, #tpu.memory_space<hbm>>, %arg5: memref<2x64xf32, #tpu.memory_space<hbm>>, %arg6: memref<500x64xf32, #tpu.memory_space<hbm>>, %arg7: memref<64xf32, #tpu.memory_space<hbm>>, %arg8: memref<64xf32, #tpu.memory_space<hbm>>, %arg9: memref<819200x64xf32, #tpu.memory_space<hbm>>, %arg10: memref<200x64xf32, #tpu.memory_space<vmem>>, %arg11: memref<2x64xf32, #tpu.memory_space<vmem>>, %arg12: memref<64xf32, #tpu.memory_space<vmem>>, %arg13: memref<64xf32, #tpu.memory_space<vmem>>, %arg14: memref<144xi32, #tpu.memory_space<vmem>>, %arg15: memref<128xi32, #tpu.memory_space<vmem>>, %arg16: memref<144xi32, #tpu.memory_space<vmem>>, %arg17: memref<128x128xf32, #tpu.memory_space<vmem>>, %arg18: memref<128x64xf32, #tpu.memory_space<vmem>>, %arg19: memref<!tpu.dma_semaphore, #tpu.memory_space<semaphore_mem>>) attributes {dimension_semantics = [#tpu.dimension_semantics<core_parallel>, #tpu.dimension_semantics<subcore_parallel>], iteration_bounds = array<i64: 2, 16>, scalar_prefetch = 0 : i64, scratch_operands = 10 : i64, tpu.core_type = #tpu.core_type<sc_vector_subcore>, window_params = [{transform_indices = #map}, {transform_indices = #map}, {transform_indices = #map1}, {transform_indices = #map1}, {transform_indices = #map1}, {transform_indices = #map}, {transform_indices = #map}, {transform_indices = #map1}]} {
    %mul3A = arith.constant 2 : i32
    %mul3A_0 = arith.muli %arg1, %mul3A : i32
    %add3A = arith.addi %mul3A_0, %arg0 : i32
    %mul3A_1 = arith.constant 25600 : i32
    %mul3A_2 = arith.muli %add3A, %mul3A_1 : i32
    "tpu.region"() ({
      %run_scoped3A = tpu.sem_alloc : memref<!tpu.dma_semaphore, #tpu.memory_space<semaphore_mem>>
      %dma_start3A = arith.constant 0 : i32
      %dma_start3A_57 = arith.constant 0 : i32
      %dma_start3A_58 = tpu.memref_slice %arg6[%dma_start3A, %dma_start3A_57] : memref<500x64xf32, #tpu.memory_space<hbm>> -> memref<200x64xf32, #tpu.memory_space<hbm>>
      %dma_start3A_59 = arith.constant 0 : i32
      %dma_start3A_60 = arith.constant 0 : i32
      %dma_start3A_61 = tpu.memref_slice %arg6[%dma_start3A_59, %dma_start3A_60] : memref<500x64xf32, #tpu.memory_space<hbm>> -> memref<200x64xf32, #tpu.memory_space<hbm>>
      tpu.enqueue_dma source(%dma_start3A_61 : memref<200x64xf32, #tpu.memory_space<hbm>>) target(%arg10 : memref<200x64xf32, #tpu.memory_space<vmem>>) target_semaphore(%run_scoped3A : memref<!tpu.dma_semaphore, #tpu.memory_space<semaphore_mem>>)
      %dma_wait3A = arith.constant 0 : i32
      %dma_wait3A_62 = arith.constant 0 : i32
      %dma_wait3A_63 = tpu.memref_slice %arg6[%dma_wait3A, %dma_wait3A_62] : memref<500x64xf32, #tpu.memory_space<hbm>> -> memref<200x64xf32, #tpu.memory_space<hbm>>
      %dma_wait3A_64 = arith.constant 0 : i32
      %dma_wait3A_65 = arith.constant 0 : i32
      %dma_wait3A_66 = tpu.memref_slice %arg6[%dma_wait3A_64, %dma_wait3A_65] : memref<500x64xf32, #tpu.memory_space<hbm>> -> memref<200x64xf32, #tpu.memory_space<hbm>>
      tpu.wait_dma2 semaphore(%run_scoped3A : memref<!tpu.dma_semaphore, #tpu.memory_space<semaphore_mem>>) src(%dma_wait3A_66 : memref<200x64xf32, #tpu.memory_space<hbm>>) dst(%arg10 : memref<200x64xf32, #tpu.memory_space<vmem>>)
      tpu.yield
    }) : () -> ()
    "tpu.region"() ({
      %run_scoped3A = tpu.sem_alloc : memref<!tpu.dma_semaphore, #tpu.memory_space<semaphore_mem>>
      tpu.enqueue_dma source(%arg5 : memref<2x64xf32, #tpu.memory_space<hbm>>) target(%arg11 : memref<2x64xf32, #tpu.memory_space<vmem>>) target_semaphore(%run_scoped3A : memref<!tpu.dma_semaphore, #tpu.memory_space<semaphore_mem>>)
      tpu.wait_dma2 semaphore(%run_scoped3A : memref<!tpu.dma_semaphore, #tpu.memory_space<semaphore_mem>>) src(%arg5 : memref<2x64xf32, #tpu.memory_space<hbm>>) dst(%arg11 : memref<2x64xf32, #tpu.memory_space<vmem>>)
      tpu.yield
    }) : () -> ()
    "tpu.region"() ({
      %run_scoped3A = tpu.sem_alloc : memref<!tpu.dma_semaphore, #tpu.memory_space<semaphore_mem>>
      tpu.enqueue_dma source(%arg7 : memref<64xf32, #tpu.memory_space<hbm>>) target(%arg12 : memref<64xf32, #tpu.memory_space<vmem>>) target_semaphore(%run_scoped3A : memref<!tpu.dma_semaphore, #tpu.memory_space<semaphore_mem>>)
      tpu.wait_dma2 semaphore(%run_scoped3A : memref<!tpu.dma_semaphore, #tpu.memory_space<semaphore_mem>>) src(%arg7 : memref<64xf32, #tpu.memory_space<hbm>>) dst(%arg12 : memref<64xf32, #tpu.memory_space<vmem>>)
      tpu.yield
    }) : () -> ()
    "tpu.region"() ({
      %run_scoped3A = tpu.sem_alloc : memref<!tpu.dma_semaphore, #tpu.memory_space<semaphore_mem>>
      tpu.enqueue_dma source(%arg8 : memref<64xf32, #tpu.memory_space<hbm>>) target(%arg13 : memref<64xf32, #tpu.memory_space<vmem>>) target_semaphore(%run_scoped3A : memref<!tpu.dma_semaphore, #tpu.memory_space<semaphore_mem>>)
      tpu.wait_dma2 semaphore(%run_scoped3A : memref<!tpu.dma_semaphore, #tpu.memory_space<semaphore_mem>>) src(%arg8 : memref<64xf32, #tpu.memory_space<hbm>>) dst(%arg13 : memref<64xf32, #tpu.memory_space<vmem>>)
      tpu.yield
    }) : () -> ()
    %get3A = arith.constant 0 : i32
    %get3A_3 = arith.index_cast %get3A : i32 to index
    %get3A_4 = arith.constant 0 : index
    %get3A_5 = tpu.vector_load %arg11[%get3A_3, %get3A_4] {strides = array<i32>} : memref<2x64xf32, #tpu.memory_space<vmem>>, vector<16xf32>,
    %get3A_6 = arith.constant 0 : i32
    %get3A_7 = arith.index_cast %get3A_6 : i32 to index
    %get3A_8 = arith.constant 16 : index
    %get3A_9 = tpu.vector_load %arg11[%get3A_7, %get3A_8] {strides = array<i32>} : memref<2x64xf32, #tpu.memory_space<vmem>>, vector<16xf32>,
    %get3A_10 = arith.constant 0 : i32
    %get3A_11 = arith.index_cast %get3A_10 : i32 to index
    %get3A_12 = arith.constant 32 : index
    %get3A_13 = tpu.vector_load %arg11[%get3A_11, %get3A_12] {strides = array<i32>} : memref<2x64xf32, #tpu.memory_space<vmem>>, vector<16xf32>,
    %get3A_14 = arith.constant 0 : i32
    %get3A_15 = arith.index_cast %get3A_14 : i32 to index
    %get3A_16 = arith.constant 48 : index
    %get3A_17 = tpu.vector_load %arg11[%get3A_15, %get3A_16] {strides = array<i32>} : memref<2x64xf32, #tpu.memory_space<vmem>>, vector<16xf32>,
    %get3A_18 = arith.constant 1 : i32
    %get3A_19 = arith.index_cast %get3A_18 : i32 to index
    %get3A_20 = arith.constant 0 : index
    %get3A_21 = tpu.vector_load %arg11[%get3A_19, %get3A_20] {strides = array<i32>} : memref<2x64xf32, #tpu.memory_space<vmem>>, vector<16xf32>,
    %get3A_22 = arith.constant 1 : i32
    %get3A_23 = arith.index_cast %get3A_22 : i32 to index
    %get3A_24 = arith.constant 16 : index
    %get3A_25 = tpu.vector_load %arg11[%get3A_23, %get3A_24] {strides = array<i32>} : memref<2x64xf32, #tpu.memory_space<vmem>>, vector<16xf32>,
    %get3A_26 = arith.constant 1 : i32
    %get3A_27 = arith.index_cast %get3A_26 : i32 to index
    %get3A_28 = arith.constant 32 : index
    %get3A_29 = tpu.vector_load %arg11[%get3A_27, %get3A_28] {strides = array<i32>} : memref<2x64xf32, #tpu.memory_space<vmem>>, vector<16xf32>,
    %get3A_30 = arith.constant 1 : i32
    %get3A_31 = arith.index_cast %get3A_30 : i32 to index
    %get3A_32 = arith.constant 48 : index
    %get3A_33 = tpu.vector_load %arg11[%get3A_31, %get3A_32] {strides = array<i32>} : memref<2x64xf32, #tpu.memory_space<vmem>>, vector<16xf32>,
    %get3A_34 = arith.constant 0 : index
    %get3A_35 = tpu.vector_load %arg12[%get3A_34] {strides = array<i32>} : memref<64xf32, #tpu.memory_space<vmem>>, vector<16xf32>,
    %get3A_36 = arith.constant 16 : index
    %get3A_37 = tpu.vector_load %arg12[%get3A_36] {strides = array<i32>} : memref<64xf32, #tpu.memory_space<vmem>>, vector<16xf32>,
    %get3A_38 = arith.constant 32 : index
    %get3A_39 = tpu.vector_load %arg12[%get3A_38] {strides = array<i32>} : memref<64xf32, #tpu.memory_space<vmem>>, vector<16xf32>,
    %get3A_40 = arith.constant 48 : index
    %get3A_41 = tpu.vector_load %arg12[%get3A_40] {strides = array<i32>} : memref<64xf32, #tpu.memory_space<vmem>>, vector<16xf32>,
    %get3A_42 = arith.constant 0 : index
    %get3A_43 = tpu.vector_load %arg13[%get3A_42] {strides = array<i32>} : memref<64xf32, #tpu.memory_space<vmem>>, vector<16xf32>,
    %get3A_44 = arith.constant 16 : index
    %get3A_45 = tpu.vector_load %arg13[%get3A_44] {strides = array<i32>} : memref<64xf32, #tpu.memory_space<vmem>>, vector<16xf32>,
    %get3A_46 = arith.constant 32 : index
    %get3A_47 = tpu.vector_load %arg13[%get3A_46] {strides = array<i32>} : memref<64xf32, #tpu.memory_space<vmem>>, vector<16xf32>,
    %get3A_48 = arith.constant 48 : index
    %get3A_49 = tpu.vector_load %arg13[%get3A_48] {strides = array<i32>} : memref<64xf32, #tpu.memory_space<vmem>>, vector<16xf32>,
    %scan3A = arith.constant 1.562500e-02 : f32
    %scan3A_50 = arith.constant 0 : i32
    %scan3A_51 = arith.constant 0 : i32
    %scan3A_52 = arith.constant 200 : i32
    %scan3A_53 = arith.addi %scan3A_51, %scan3A_52 : i32
    %scan3A_54 = arith.constant 1 : i32
    %scan3A_55 = scf.for %scan3A_57 = %scan3A_51 to %scan3A_53 step %scan3A_54 iter_args(%scan3A_58 = %scan3A_50) -> (i32)  : i32 {
      %mul3A_59 = arith.constant 128 : i32
      %mul3A_60 = arith.muli %scan3A_57, %mul3A_59 : i32
      %add3A_61 = arith.addi %mul3A_2, %mul3A_60 : i32
      "tpu.region"() ({
        %run_scoped3A = tpu.sem_alloc : memref<!tpu.dma_semaphore, #tpu.memory_space<semaphore_mem>>
        %dma_start3A_123 = arith.constant 0 : i32
        %dma_start3A_124 = tpu.memref_slice %arg14[%dma_start3A_123] : memref<144xi32, #tpu.memory_space<vmem>> -> memref<128xi32, #tpu.memory_space<vmem>>
        %dma_start3A_125 = tpu.memref_slice %arg2[%add3A_61] : memref<819200xi32, #tpu.memory_space<hbm>> -> memref<128xi32, #tpu.memory_space<hbm>>
        %dma_start3A_126 = arith.constant 0 : i32
        %dma_start3A_127 = tpu.memref_slice %arg14[%dma_start3A_126] : memref<144xi32, #tpu.memory_space<vmem>> -> memref<128xi32, #tpu.memory_space<vmem>>
        %dma_start3A_128 = tpu.memref_slice %arg2[%add3A_61] : memref<819200xi32, #tpu.memory_space<hbm>> -> memref<128xi32, #tpu.memory_space<hbm>>
        tpu.enqueue_dma source(%dma_start3A_128 : memref<128xi32, #tpu.memory_space<hbm>>) target(%dma_start3A_127 : memref<128xi32, #tpu.memory_space<vmem>>) target_semaphore(%run_scoped3A : memref<!tpu.dma_semaphore, #tpu.memory_space<semaphore_mem>>)
        %dma_wait3A_129 = arith.constant 0 : i32
        %dma_wait3A_130 = tpu.memref_slice %arg14[%dma_wait3A_129] : memref<144xi32, #tpu.memory_space<vmem>> -> memref<128xi32, #tpu.memory_space<vmem>>
        %dma_wait3A_131 = tpu.memref_slice %arg2[%add3A_61] : memref<819200xi32, #tpu.memory_space<hbm>> -> memref<128xi32, #tpu.memory_space<hbm>>
        %dma_wait3A_132 = arith.constant 0 : i32
        %dma_wait3A_133 = tpu.memref_slice %arg14[%dma_wait3A_132] : memref<144xi32, #tpu.memory_space<vmem>> -> memref<128xi32, #tpu.memory_space<vmem>>
        %dma_wait3A_134 = tpu.memref_slice %arg2[%add3A_61] : memref<819200xi32, #tpu.memory_space<hbm>> -> memref<128xi32, #tpu.memory_space<hbm>>
        tpu.wait_dma2 semaphore(%run_scoped3A : memref<!tpu.dma_semaphore, #tpu.memory_space<semaphore_mem>>) src(%dma_wait3A_134 : memref<128xi32, #tpu.memory_space<hbm>>) dst(%dma_wait3A_133 : memref<128xi32, #tpu.memory_space<vmem>>)
        tpu.yield
      }) : () -> ()
      "tpu.region"() ({
        %run_scoped3A = tpu.sem_alloc : memref<!tpu.dma_semaphore, #tpu.memory_space<semaphore_mem>>
        %dma_start3A_123 = arith.constant 0 : i32
        %dma_start3A_124 = tpu.memref_slice %arg16[%dma_start3A_123] : memref<144xi32, #tpu.memory_space<vmem>> -> memref<128xi32, #tpu.memory_space<vmem>>
        %dma_start3A_125 = tpu.memref_slice %arg3[%add3A_61] : memref<819200xi32, #tpu.memory_space<hbm>> -> memref<128xi32, #tpu.memory_space<hbm>>
        %dma_start3A_126 = arith.constant 0 : i32
        %dma_start3A_127 = tpu.memref_slice %arg16[%dma_start3A_126] : memref<144xi32, #tpu.memory_space<vmem>> -> memref<128xi32, #tpu.memory_space<vmem>>
        %dma_start3A_128 = tpu.memref_slice %arg3[%add3A_61] : memref<819200xi32, #tpu.memory_space<hbm>> -> memref<128xi32, #tpu.memory_space<hbm>>
        tpu.enqueue_dma source(%dma_start3A_128 : memref<128xi32, #tpu.memory_space<hbm>>) target(%dma_start3A_127 : memref<128xi32, #tpu.memory_space<vmem>>) target_semaphore(%run_scoped3A : memref<!tpu.dma_semaphore, #tpu.memory_space<semaphore_mem>>)
        %dma_wait3A_129 = arith.constant 0 : i32
        %dma_wait3A_130 = tpu.memref_slice %arg16[%dma_wait3A_129] : memref<144xi32, #tpu.memory_space<vmem>> -> memref<128xi32, #tpu.memory_space<vmem>>
        %dma_wait3A_131 = tpu.memref_slice %arg3[%add3A_61] : memref<819200xi32, #tpu.memory_space<hbm>> -> memref<128xi32, #tpu.memory_space<hbm>>
        %dma_wait3A_132 = arith.constant 0 : i32
        %dma_wait3A_133 = tpu.memref_slice %arg16[%dma_wait3A_132] : memref<144xi32, #tpu.memory_space<vmem>> -> memref<128xi32, #tpu.memory_space<vmem>>
        %dma_wait3A_134 = tpu.memref_slice %arg3[%add3A_61] : memref<819200xi32, #tpu.memory_space<hbm>> -> memref<128xi32, #tpu.memory_space<hbm>>
        tpu.wait_dma2 semaphore(%run_scoped3A : memref<!tpu.dma_semaphore, #tpu.memory_space<semaphore_mem>>) src(%dma_wait3A_134 : memref<128xi32, #tpu.memory_space<hbm>>) dst(%dma_wait3A_133 : memref<128xi32, #tpu.memory_space<vmem>>)
        tpu.yield
      }) : () -> ()
      %get3A_62 = arith.constant 0 : index
      %get3A_63 = tpu.vector_load %arg14[%get3A_62] {strides = array<i32>} : memref<144xi32, #tpu.memory_space<vmem>>, vector<16xi32>,
      %shift_right_logical3A = arith.constant 1 : i32
      %shift_right_logical3A_64 = vector.broadcast %shift_right_logical3A : i32 to vector<16xi32>
      %shift_right_logical3A_65 = arith.shrui %get3A_63, %shift_right_logical3A_64 : vector<16xi32>
      %swap3A = arith.constant 0 : index
      %swap3A_66 = tpu.vector_load %arg15[%swap3A] {strides = array<i32>} : memref<128xi32, #tpu.memory_space<vmem>>, vector<16xi32>,
      tpu.vector_store %arg15[%swap3A], %shift_right_logical3A_65 {strides = array<i32>} : memref<128xi32, #tpu.memory_space<vmem>>, vector<16xi32>,
      %get3A_67 = arith.constant 16 : index
      %get3A_68 = tpu.vector_load %arg14[%get3A_67] {strides = array<i32>} : memref<144xi32, #tpu.memory_space<vmem>>, vector<16xi32>,
      %shift_right_logical3A_69 = arith.constant 1 : i32
      %shift_right_logical3A_70 = vector.broadcast %shift_right_logical3A_69 : i32 to vector<16xi32>
      %shift_right_logical3A_71 = arith.shrui %get3A_68, %shift_right_logical3A_70 : vector<16xi32>
      %swap3A_72 = arith.constant 16 : index
      %swap3A_73 = tpu.vector_load %arg15[%swap3A_72] {strides = array<i32>} : memref<128xi32, #tpu.memory_space<vmem>>, vector<16xi32>,
      tpu.vector_store %arg15[%swap3A_72], %shift_right_logical3A_71 {strides = array<i32>} : memref<128xi32, #tpu.memory_space<vmem>>, vector<16xi32>,
      %get3A_74 = arith.constant 32 : index
      %get3A_75 = tpu.vector_load %arg14[%get3A_74] {strides = array<i32>} : memref<144xi32, #tpu.memory_space<vmem>>, vector<16xi32>,
      %shift_right_logical3A_76 = arith.constant 1 : i32
      %shift_right_logical3A_77 = vector.broadcast %shift_right_logical3A_76 : i32 to vector<16xi32>
      %shift_right_logical3A_78 = arith.shrui %get3A_75, %shift_right_logical3A_77 : vector<16xi32>
      %swap3A_79 = arith.constant 32 : index
      %swap3A_80 = tpu.vector_load %arg15[%swap3A_79] {strides = array<i32>} : memref<128xi32, #tpu.memory_space<vmem>>, vector<16xi32>,
      tpu.vector_store %arg15[%swap3A_79], %shift_right_logical3A_78 {strides = array<i32>} : memref<128xi32, #tpu.memory_space<vmem>>, vector<16xi32>,
      %get3A_81 = arith.constant 48 : index
      %get3A_82 = tpu.vector_load %arg14[%get3A_81] {strides = array<i32>} : memref<144xi32, #tpu.memory_space<vmem>>, vector<16xi32>,
      %shift_right_logical3A_83 = arith.constant 1 : i32
      %shift_right_logical3A_84 = vector.broadcast %shift_right_logical3A_83 : i32 to vector<16xi32>
      %shift_right_logical3A_85 = arith.shrui %get3A_82, %shift_right_logical3A_84 : vector<16xi32>
      %swap3A_86 = arith.constant 48 : index
      %swap3A_87 = tpu.vector_load %arg15[%swap3A_86] {strides = array<i32>} : memref<128xi32, #tpu.memory_space<vmem>>, vector<16xi32>,
      tpu.vector_store %arg15[%swap3A_86], %shift_right_logical3A_85 {strides = array<i32>} : memref<128xi32, #tpu.memory_space<vmem>>, vector<16xi32>,
      %get3A_88 = arith.constant 64 : index
      %get3A_89 = tpu.vector_load %arg14[%get3A_88] {strides = array<i32>} : memref<144xi32, #tpu.memory_space<vmem>>, vector<16xi32>,
      %shift_right_logical3A_90 = arith.constant 1 : i32
      %shift_right_logical3A_91 = vector.broadcast %shift_right_logical3A_90 : i32 to vector<16xi32>
      %shift_right_logical3A_92 = arith.shrui %get3A_89, %shift_right_logical3A_91 : vector<16xi32>
      %swap3A_93 = arith.constant 64 : index
      %swap3A_94 = tpu.vector_load %arg15[%swap3A_93] {strides = array<i32>} : memref<128xi32, #tpu.memory_space<vmem>>, vector<16xi32>,
      tpu.vector_store %arg15[%swap3A_93], %shift_right_logical3A_92 {strides = array<i32>} : memref<128xi32, #tpu.memory_space<vmem>>, vector<16xi32>,
      %get3A_95 = arith.constant 80 : index
      %get3A_96 = tpu.vector_load %arg14[%get3A_95] {strides = array<i32>} : memref<144xi32, #tpu.memory_space<vmem>>, vector<16xi32>,
      %shift_right_logical3A_97 = arith.constant 1 : i32
      %shift_right_logical3A_98 = vector.broadcast %shift_right_logical3A_97 : i32 to vector<16xi32>
      %shift_right_logical3A_99 = arith.shrui %get3A_96, %shift_right_logical3A_98 : vector<16xi32>
      %swap3A_100 = arith.constant 80 : index
      %swap3A_101 = tpu.vector_load %arg15[%swap3A_100] {strides = array<i32>} : memref<128xi32, #tpu.memory_space<vmem>>, vector<16xi32>,
      tpu.vector_store %arg15[%swap3A_100], %shift_right_logical3A_99 {strides = array<i32>} : memref<128xi32, #tpu.memory_space<vmem>>, vector<16xi32>,
      %get3A_102 = arith.constant 96 : index
      %get3A_103 = tpu.vector_load %arg14[%get3A_102] {strides = array<i32>} : memref<144xi32, #tpu.memory_space<vmem>>, vector<16xi32>,
      %shift_right_logical3A_104 = arith.constant 1 : i32
      %shift_right_logical3A_105 = vector.broadcast %shift_right_logical3A_104 : i32 to vector<16xi32>
      %shift_right_logical3A_106 = arith.shrui %get3A_103, %shift_right_logical3A_105 : vector<16xi32>
      %swap3A_107 = arith.constant 96 : index
      %swap3A_108 = tpu.vector_load %arg15[%swap3A_107] {strides = array<i32>} : memref<128xi32, #tpu.memory_space<vmem>>, vector<16xi32>,
      tpu.vector_store %arg15[%swap3A_107], %shift_right_logical3A_106 {strides = array<i32>} : memref<128xi32, #tpu.memory_space<vmem>>, vector<16xi32>,
      %get3A_109 = arith.constant 112 : index
      %get3A_110 = tpu.vector_load %arg14[%get3A_109] {strides = array<i32>} : memref<144xi32, #tpu.memory_space<vmem>>, vector<16xi32>,
      %shift_right_logical3A_111 = arith.constant 1 : i32
      %shift_right_logical3A_112 = vector.broadcast %shift_right_logical3A_111 : i32 to vector<16xi32>
      %shift_right_logical3A_113 = arith.shrui %get3A_110, %shift_right_logical3A_112 : vector<16xi32>
      %swap3A_114 = arith.constant 112 : index
      %swap3A_115 = tpu.vector_load %arg15[%swap3A_114] {strides = array<i32>} : memref<128xi32, #tpu.memory_space<vmem>>, vector<16xi32>,
      tpu.vector_store %arg15[%swap3A_114], %shift_right_logical3A_113 {strides = array<i32>} : memref<128xi32, #tpu.memory_space<vmem>>, vector<16xi32>,
      %dma_start3A = arith.constant 0 : i32
      %dma_start3A_116 = arith.constant 0 : i32
      %dma_start3A_117 = tpu.memref_slice %arg4[%dma_start3A, %dma_start3A_116] : memref<50000x128xf32, #tpu.memory_space<hbm>> -> memref<50000x128xf32, #tpu.memory_space<hbm>>
      tpu.enqueue_indirect_dma source(%dma_start3A_117 : memref<50000x128xf32, #tpu.memory_space<hbm>>) target(%arg17 : memref<128x128xf32, #tpu.memory_space<vmem>>) offsets(%arg15 : memref<128xi32, #tpu.memory_space<vmem>>) semaphore(%arg19 : memref<!tpu.dma_semaphore, #tpu.memory_space<semaphore_mem>>)
      %dma_wait3A = arith.constant 0 : i32
      %dma_wait3A_118 = arith.constant 0 : i32
      %dma_wait3A_119 = tpu.memref_slice %arg4[%dma_wait3A, %dma_wait3A_118] : memref<50000x128xf32, #tpu.memory_space<hbm>> -> memref<50000x128xf32, #tpu.memory_space<hbm>>
      tpu.wait_indirect_dma semaphore(%arg19 : memref<!tpu.dma_semaphore, #tpu.memory_space<semaphore_mem>>) src(%dma_wait3A_119 : memref<50000x128xf32, #tpu.memory_space<hbm>>) dst(%arg17 : memref<128x128xf32, #tpu.memory_space<vmem>>)
      %parallel_loop3A = arith.constant 0 : i32
      %parallel_loop3A_120 = arith.constant 128 : i32
      %parallel_loop3A_121 = arith.constant 1 : i32
      scf.for %parallel_loop3A_123 = %parallel_loop3A to %parallel_loop3A_120 step %parallel_loop3A_121  : i32 {
        %parallel_loop3A_124 = arith.addi %add3A_61, %parallel_loop3A_123 : i32
        %parallel_loop3A_125 = arith.constant 200 : i32
        %parallel_loop3A_126 = arith.remsi %parallel_loop3A_124, %parallel_loop3A_125 : i32
        %parallel_loop3A_127 = arith.index_cast %parallel_loop3A_123 : i32 to index
        %parallel_loop3A_128 = tpu.vector_load %arg16[%parallel_loop3A_127] {strides = array<i32>} : memref<144xi32, #tpu.memory_space<vmem>>, vector<16xi32>,
        %parallel_loop3A_129 = vector.extract_strided_slice %parallel_loop3A_128 {offsets = [0], sizes = [1], strides = [1]} : vector<16xi32> to vector<1xi32>
        %parallel_loop3A_130 = vector.extract %parallel_loop3A_129[0] : i32 from vector<1xi32>
        %parallel_loop3A_131 = arith.index_cast %parallel_loop3A_123 : i32 to index
        %parallel_loop3A_132 = tpu.vector_load %arg14[%parallel_loop3A_131] {strides = array<i32>} : memref<144xi32, #tpu.memory_space<vmem>>, vector<16xi32>,
        %parallel_loop3A_133 = vector.extract_strided_slice %parallel_loop3A_132 {offsets = [0], sizes = [1], strides = [1]} : vector<16xi32> to vector<1xi32>
        %parallel_loop3A_134 = vector.extract %parallel_loop3A_133[0] : i32 from vector<1xi32>
        %parallel_loop3A_135 = arith.constant 1 : i32
        %parallel_loop3A_136 = arith.andi %parallel_loop3A_134, %parallel_loop3A_135 : i32
        %parallel_loop3A_137 = arith.constant 64 : i32
        %parallel_loop3A_138 = arith.muli %parallel_loop3A_136, %parallel_loop3A_137 : i32
        %parallel_loop3A_139 = arith.constant 0 : i32
        %parallel_loop3A_140 = arith.addi %parallel_loop3A_138, %parallel_loop3A_139 : i32
        %parallel_loop3A_141 = arith.index_cast %parallel_loop3A_123 : i32 to index
        %parallel_loop3A_142 = arith.index_cast %parallel_loop3A_140 : i32 to index
        %parallel_loop3A_143 = tpu.vector_load %arg17[%parallel_loop3A_141, %parallel_loop3A_142] {strides = array<i32>} : memref<128x128xf32, #tpu.memory_space<vmem>>, vector<16xf32>,
        %parallel_loop3A_144 = arith.index_cast %parallel_loop3A_126 : i32 to index
        %parallel_loop3A_145 = arith.constant 0 : index
        %parallel_loop3A_146 = tpu.vector_load %arg10[%parallel_loop3A_144, %parallel_loop3A_145] {strides = array<i32>} : memref<200x64xf32, #tpu.memory_space<vmem>>, vector<16xf32>,
        %parallel_loop3A_147 = arith.index_cast %parallel_loop3A_130 : i32 to index
        %parallel_loop3A_148 = arith.constant 0 : index
        %parallel_loop3A_149 = tpu.vector_load %arg11[%parallel_loop3A_147, %parallel_loop3A_148] {strides = array<i32>} : memref<2x64xf32, #tpu.memory_space<vmem>>, vector<16xf32>,
        %parallel_loop3A_150 = arith.addf %parallel_loop3A_143, %parallel_loop3A_146 : vector<16xf32>
        %parallel_loop3A_151 = arith.addf %parallel_loop3A_150, %parallel_loop3A_149 : vector<16xf32>
        %parallel_loop3A_152 = arith.constant 16 : i32
        %parallel_loop3A_153 = arith.addi %parallel_loop3A_138, %parallel_loop3A_152 : i32
        %parallel_loop3A_154 = arith.index_cast %parallel_loop3A_123 : i32 to index
        %parallel_loop3A_155 = arith.index_cast %parallel_loop3A_153 : i32 to index
        %parallel_loop3A_156 = tpu.vector_load %arg17[%parallel_loop3A_154, %parallel_loop3A_155] {strides = array<i32>} : memref<128x128xf32, #tpu.memory_space<vmem>>, vector<16xf32>,
        %parallel_loop3A_157 = arith.index_cast %parallel_loop3A_126 : i32 to index
        %parallel_loop3A_158 = arith.constant 16 : index
        %parallel_loop3A_159 = tpu.vector_load %arg10[%parallel_loop3A_157, %parallel_loop3A_158] {strides = array<i32>} : memref<200x64xf32, #tpu.memory_space<vmem>>, vector<16xf32>,
        %parallel_loop3A_160 = arith.index_cast %parallel_loop3A_130 : i32 to index
        %parallel_loop3A_161 = arith.constant 16 : index
        %parallel_loop3A_162 = tpu.vector_load %arg11[%parallel_loop3A_160, %parallel_loop3A_161] {strides = array<i32>} : memref<2x64xf32, #tpu.memory_space<vmem>>, vector<16xf32>,
        %parallel_loop3A_163 = arith.addf %parallel_loop3A_156, %parallel_loop3A_159 : vector<16xf32>
        %parallel_loop3A_164 = arith.addf %parallel_loop3A_163, %parallel_loop3A_162 : vector<16xf32>
        %parallel_loop3A_165 = arith.constant 32 : i32
        %parallel_loop3A_166 = arith.addi %parallel_loop3A_138, %parallel_loop3A_165 : i32
        %parallel_loop3A_167 = arith.index_cast %parallel_loop3A_123 : i32 to index
        %parallel_loop3A_168 = arith.index_cast %parallel_loop3A_166 : i32 to index
        %parallel_loop3A_169 = tpu.vector_load %arg17[%parallel_loop3A_167, %parallel_loop3A_168] {strides = array<i32>} : memref<128x128xf32, #tpu.memory_space<vmem>>, vector<16xf32>,
        %parallel_loop3A_170 = arith.index_cast %parallel_loop3A_126 : i32 to index
        %parallel_loop3A_171 = arith.constant 32 : index
        %parallel_loop3A_172 = tpu.vector_load %arg10[%parallel_loop3A_170, %parallel_loop3A_171] {strides = array<i32>} : memref<200x64xf32, #tpu.memory_space<vmem>>, vector<16xf32>,
        %parallel_loop3A_173 = arith.index_cast %parallel_loop3A_130 : i32 to index
        %parallel_loop3A_174 = arith.constant 32 : index
        %parallel_loop3A_175 = tpu.vector_load %arg11[%parallel_loop3A_173, %parallel_loop3A_174] {strides = array<i32>} : memref<2x64xf32, #tpu.memory_space<vmem>>, vector<16xf32>,
        %parallel_loop3A_176 = arith.addf %parallel_loop3A_169, %parallel_loop3A_172 : vector<16xf32>
        %parallel_loop3A_177 = arith.addf %parallel_loop3A_176, %parallel_loop3A_175 : vector<16xf32>
        %parallel_loop3A_178 = arith.constant 48 : i32
        %parallel_loop3A_179 = arith.addi %parallel_loop3A_138, %parallel_loop3A_178 : i32
        %parallel_loop3A_180 = arith.index_cast %parallel_loop3A_123 : i32 to index
        %parallel_loop3A_181 = arith.index_cast %parallel_loop3A_179 : i32 to index
        %parallel_loop3A_182 = tpu.vector_load %arg17[%parallel_loop3A_180, %parallel_loop3A_181] {strides = array<i32>} : memref<128x128xf32, #tpu.memory_space<vmem>>, vector<16xf32>,
        %parallel_loop3A_183 = arith.index_cast %parallel_loop3A_126 : i32 to index
        %parallel_loop3A_184 = arith.constant 48 : index
        %parallel_loop3A_185 = tpu.vector_load %arg10[%parallel_loop3A_183, %parallel_loop3A_184] {strides = array<i32>} : memref<200x64xf32, #tpu.memory_space<vmem>>, vector<16xf32>,
        %parallel_loop3A_186 = arith.index_cast %parallel_loop3A_130 : i32 to index
        %parallel_loop3A_187 = arith.constant 48 : index
        %parallel_loop3A_188 = tpu.vector_load %arg11[%parallel_loop3A_186, %parallel_loop3A_187] {strides = array<i32>} : memref<2x64xf32, #tpu.memory_space<vmem>>, vector<16xf32>,
        %parallel_loop3A_189 = arith.addf %parallel_loop3A_182, %parallel_loop3A_185 : vector<16xf32>
        %parallel_loop3A_190 = arith.addf %parallel_loop3A_189, %parallel_loop3A_188 : vector<16xf32>
        %parallel_loop3A_191 = arith.addf %parallel_loop3A_151, %parallel_loop3A_164 : vector<16xf32>
        %parallel_loop3A_192 = arith.addf %parallel_loop3A_177, %parallel_loop3A_190 : vector<16xf32>
        %parallel_loop3A_193 = arith.addf %parallel_loop3A_191, %parallel_loop3A_192 : vector<16xf32>
        %parallel_loop3A_194 = arith.constant true
        %parallel_loop3A_195 = vector.broadcast %parallel_loop3A_194 : i1 to vector<16xi1>
        %parallel_loop3A_196 = tpu.scan <sum>, %parallel_loop3A_193 masked %parallel_loop3A_195 : vector<16xf32>, vector<16xi1> -> vector<16xf32>
        %parallel_loop3A_197 = vector.extract %parallel_loop3A_196[15] : f32 from vector<16xf32>
        %parallel_loop3A_198 = arith.mulf %parallel_loop3A_151, %parallel_loop3A_151 : vector<16xf32>
        %parallel_loop3A_199 = arith.mulf %parallel_loop3A_164, %parallel_loop3A_164 : vector<16xf32>
        %parallel_loop3A_200 = arith.addf %parallel_loop3A_198, %parallel_loop3A_199 : vector<16xf32>
        %parallel_loop3A_201 = arith.mulf %parallel_loop3A_177, %parallel_loop3A_177 : vector<16xf32>
        %parallel_loop3A_202 = arith.mulf %parallel_loop3A_190, %parallel_loop3A_190 : vector<16xf32>
        %parallel_loop3A_203 = arith.addf %parallel_loop3A_201, %parallel_loop3A_202 : vector<16xf32>
        %parallel_loop3A_204 = arith.addf %parallel_loop3A_200, %parallel_loop3A_203 : vector<16xf32>
        %parallel_loop3A_205 = arith.constant true
        %parallel_loop3A_206 = vector.broadcast %parallel_loop3A_205 : i1 to vector<16xi1>
        %parallel_loop3A_207 = tpu.scan <sum>, %parallel_loop3A_204 masked %parallel_loop3A_206 : vector<16xf32>, vector<16xi1> -> vector<16xf32>
        %parallel_loop3A_208 = vector.extract %parallel_loop3A_207[15] : f32 from vector<16xf32>
        %parallel_loop3A_209 = arith.mulf %parallel_loop3A_197, %scan3A : f32
        %parallel_loop3A_210 = arith.mulf %parallel_loop3A_208, %scan3A : f32
        %parallel_loop3A_211 = arith.mulf %parallel_loop3A_209, %parallel_loop3A_209 : f32
        %parallel_loop3A_212 = arith.subf %parallel_loop3A_210, %parallel_loop3A_211 : f32
        %parallel_loop3A_213 = arith.constant 9.99999974E-6 : f32
        %parallel_loop3A_214 = arith.addf %parallel_loop3A_212, %parallel_loop3A_213 : f32
        %parallel_loop3A_215 = vector.broadcast %parallel_loop3A_214 : f32 to vector<16xf32>
        %parallel_loop3A_216 = vector.bitcast %parallel_loop3A_215 : vector<16xf32> to vector<16xi32>
        %parallel_loop3A_217 = arith.constant 1 : i32
        %parallel_loop3A_218 = vector.broadcast %parallel_loop3A_217 : i32 to vector<16xi32>
        %parallel_loop3A_219 = arith.shrui %parallel_loop3A_216, %parallel_loop3A_218 : vector<16xi32>
        %parallel_loop3A_220 = arith.constant 1597463007 : i32
        %parallel_loop3A_221 = vector.broadcast %parallel_loop3A_220 : i32 to vector<16xi32>
        %parallel_loop3A_222 = arith.subi %parallel_loop3A_221, %parallel_loop3A_219 : vector<16xi32>
        %parallel_loop3A_223 = vector.bitcast %parallel_loop3A_222 : vector<16xi32> to vector<16xf32>
        %parallel_loop3A_224 = arith.constant 5.000000e-01 : f32
        %parallel_loop3A_225 = vector.broadcast %parallel_loop3A_224 : f32 to vector<16xf32>
        %parallel_loop3A_226 = arith.mulf %parallel_loop3A_215, %parallel_loop3A_225 : vector<16xf32>
        %parallel_loop3A_227 = arith.mulf %parallel_loop3A_226, %parallel_loop3A_223 : vector<16xf32>
        %parallel_loop3A_228 = arith.mulf %parallel_loop3A_227, %parallel_loop3A_223 : vector<16xf32>
        %parallel_loop3A_229 = arith.constant 1.500000e+00 : f32
        %parallel_loop3A_230 = vector.broadcast %parallel_loop3A_229 : f32 to vector<16xf32>
        %parallel_loop3A_231 = arith.subf %parallel_loop3A_230, %parallel_loop3A_228 : vector<16xf32>
        %parallel_loop3A_232 = arith.mulf %parallel_loop3A_223, %parallel_loop3A_231 : vector<16xf32>
        %parallel_loop3A_233 = arith.mulf %parallel_loop3A_226, %parallel_loop3A_232 : vector<16xf32>
        %parallel_loop3A_234 = arith.mulf %parallel_loop3A_233, %parallel_loop3A_232 : vector<16xf32>
        %parallel_loop3A_235 = arith.constant 1.500000e+00 : f32
        %parallel_loop3A_236 = vector.broadcast %parallel_loop3A_235 : f32 to vector<16xf32>
        %parallel_loop3A_237 = arith.subf %parallel_loop3A_236, %parallel_loop3A_234 : vector<16xf32>
        %parallel_loop3A_238 = arith.mulf %parallel_loop3A_232, %parallel_loop3A_237 : vector<16xf32>
        %parallel_loop3A_239 = arith.mulf %parallel_loop3A_226, %parallel_loop3A_238 : vector<16xf32>
        %parallel_loop3A_240 = arith.mulf %parallel_loop3A_239, %parallel_loop3A_238 : vector<16xf32>
        %parallel_loop3A_241 = arith.constant 1.500000e+00 : f32
        %parallel_loop3A_242 = vector.broadcast %parallel_loop3A_241 : f32 to vector<16xf32>
        %parallel_loop3A_243 = arith.subf %parallel_loop3A_242, %parallel_loop3A_240 : vector<16xf32>
        %parallel_loop3A_244 = arith.mulf %parallel_loop3A_238, %parallel_loop3A_243 : vector<16xf32>
        %parallel_loop3A_245 = vector.broadcast %parallel_loop3A_209 : f32 to vector<16xf32>
        %parallel_loop3A_246 = arith.subf %parallel_loop3A_151, %parallel_loop3A_245 : vector<16xf32>
        %parallel_loop3A_247 = arith.mulf %parallel_loop3A_246, %parallel_loop3A_244 : vector<16xf32>
        %parallel_loop3A_248 = arith.mulf %parallel_loop3A_247, %get3A_35 : vector<16xf32>
        %parallel_loop3A_249 = arith.addf %parallel_loop3A_248, %get3A_43 : vector<16xf32>
        %parallel_loop3A_250 = arith.index_cast %parallel_loop3A_123 : i32 to index
        %parallel_loop3A_251 = arith.constant 0 : index
        %parallel_loop3A_252 = tpu.vector_load %arg18[%parallel_loop3A_250, %parallel_loop3A_251] {strides = array<i32>} : memref<128x64xf32, #tpu.memory_space<vmem>>, vector<16xf32>,
        tpu.vector_store %arg18[%parallel_loop3A_250, %parallel_loop3A_251], %parallel_loop3A_249 {strides = array<i32>} : memref<128x64xf32, #tpu.memory_space<vmem>>, vector<16xf32>,
        %parallel_loop3A_253 = arith.subf %parallel_loop3A_164, %parallel_loop3A_245 : vector<16xf32>
        %parallel_loop3A_254 = arith.mulf %parallel_loop3A_253, %parallel_loop3A_244 : vector<16xf32>
        %parallel_loop3A_255 = arith.mulf %parallel_loop3A_254, %get3A_37 : vector<16xf32>
        %parallel_loop3A_256 = arith.addf %parallel_loop3A_255, %get3A_45 : vector<16xf32>
        %parallel_loop3A_257 = arith.index_cast %parallel_loop3A_123 : i32 to index
        %parallel_loop3A_258 = arith.constant 16 : index
        %parallel_loop3A_259 = tpu.vector_load %arg18[%parallel_loop3A_257, %parallel_loop3A_258] {strides = array<i32>} : memref<128x64xf32, #tpu.memory_space<vmem>>, vector<16xf32>,
        tpu.vector_store %arg18[%parallel_loop3A_257, %parallel_loop3A_258], %parallel_loop3A_256 {strides = array<i32>} : memref<128x64xf32, #tpu.memory_space<vmem>>, vector<16xf32>,
        %parallel_loop3A_260 = arith.subf %parallel_loop3A_177, %parallel_loop3A_245 : vector<16xf32>
        %parallel_loop3A_261 = arith.mulf %parallel_loop3A_260, %parallel_loop3A_244 : vector<16xf32>
        %parallel_loop3A_262 = arith.mulf %parallel_loop3A_261, %get3A_39 : vector<16xf32>
        %parallel_loop3A_263 = arith.addf %parallel_loop3A_262, %get3A_47 : vector<16xf32>
        %parallel_loop3A_264 = arith.index_cast %parallel_loop3A_123 : i32 to index
        %parallel_loop3A_265 = arith.constant 32 : index
        %parallel_loop3A_266 = tpu.vector_load %arg18[%parallel_loop3A_264, %parallel_loop3A_265] {strides = array<i32>} : memref<128x64xf32, #tpu.memory_space<vmem>>, vector<16xf32>,
        tpu.vector_store %arg18[%parallel_loop3A_264, %parallel_loop3A_265], %parallel_loop3A_263 {strides = array<i32>} : memref<128x64xf32, #tpu.memory_space<vmem>>, vector<16xf32>,
        %parallel_loop3A_267 = arith.subf %parallel_loop3A_190, %parallel_loop3A_245 : vector<16xf32>
        %parallel_loop3A_268 = arith.mulf %parallel_loop3A_267, %parallel_loop3A_244 : vector<16xf32>
        %parallel_loop3A_269 = arith.mulf %parallel_loop3A_268, %get3A_41 : vector<16xf32>
        %parallel_loop3A_270 = arith.addf %parallel_loop3A_269, %get3A_49 : vector<16xf32>
        %parallel_loop3A_271 = arith.index_cast %parallel_loop3A_123 : i32 to index
        %parallel_loop3A_272 = arith.constant 48 : index
        %parallel_loop3A_273 = tpu.vector_load %arg18[%parallel_loop3A_271, %parallel_loop3A_272] {strides = array<i32>} : memref<128x64xf32, #tpu.memory_space<vmem>>, vector<16xf32>,
        tpu.vector_store %arg18[%parallel_loop3A_271, %parallel_loop3A_272], %parallel_loop3A_270 {strides = array<i32>} : memref<128x64xf32, #tpu.memory_space<vmem>>, vector<16xf32>,
      } {sc.loop_unroll_factor = 2 : i64, sc.parallel_access}
      "tpu.region"() ({
        %run_scoped3A = tpu.sem_alloc : memref<!tpu.dma_semaphore, #tpu.memory_space<semaphore_mem>>
        %dma_start3A_123 = arith.constant 0 : i32
        %dma_start3A_124 = tpu.memref_slice %arg9[%add3A_61, %dma_start3A_123] : memref<819200x64xf32, #tpu.memory_space<hbm>> -> memref<128x64xf32, #tpu.memory_space<hbm>>
        %dma_start3A_125 = arith.constant 0 : i32
        %dma_start3A_126 = tpu.memref_slice %arg9[%add3A_61, %dma_start3A_125] : memref<819200x64xf32, #tpu.memory_space<hbm>> -> memref<128x64xf32, #tpu.memory_space<hbm>>
        tpu.enqueue_dma source(%arg18 : memref<128x64xf32, #tpu.memory_space<vmem>>) target(%dma_start3A_126 : memref<128x64xf32, #tpu.memory_space<hbm>>) target_semaphore(%run_scoped3A : memref<!tpu.dma_semaphore, #tpu.memory_space<semaphore_mem>>)
        %dma_wait3A_127 = arith.constant 0 : i32
        %dma_wait3A_128 = tpu.memref_slice %arg9[%add3A_61, %dma_wait3A_127] : memref<819200x64xf32, #tpu.memory_space<hbm>> -> memref<128x64xf32, #tpu.memory_space<hbm>>
        %dma_wait3A_129 = arith.constant 0 : i32
        %dma_wait3A_130 = tpu.memref_slice %arg9[%add3A_61, %dma_wait3A_129] : memref<819200x64xf32, #tpu.memory_space<hbm>> -> memref<128x64xf32, #tpu.memory_space<hbm>>
        tpu.wait_dma2 semaphore(%run_scoped3A : memref<!tpu.dma_semaphore, #tpu.memory_space<semaphore_mem>>) src(%arg18 : memref<128x64xf32, #tpu.memory_space<vmem>>) dst(%dma_wait3A_130 : memref<128x64xf32, #tpu.memory_space<hbm>>)
        tpu.yield
      }) : () -> ()
      %scan3A_122 = arith.constant 0 : i32
      scf.yield %scan3A_122 : i32
    }
    %scan3A_56 = arith.constant 200 : i32
    return
  }
}

</mosaic_0001>

<sc_bundles>
// kernel: kernel.3.cloned.1.call-start
scs
__scs_entry_jumppad:
0x0: {  	(pc) =	sbr.rel $0x88, $3  }
0x1: {  	(tag) =	ssettag $0x0;
	lr =	simm.s32 $0x1  }
0x2: {  	[smem:$0x3F9A] =	sst lr;
	_ =	strace $0xD0000000  }
0x3: {  	_ = 	snop  }
0x4: {  	_ = 	snop  }
0x5: {  	_ = 	snop  }
0x6: {  	_ = 	snop  }
0x7: {  	_ = 	snop  }
__scs_overlays_trampoline_lowered:
0x8: {  	[smem:$0x3FA9] =	sst s0  }
0x9: {  	[smem:$0x3FAA] =	sst s1  }
0xa: {  	[smem:$0x3FAB] =	sst s2  }
0xb: {  	[smem:$0x3FAC] =	sst s3  }
0xc: {  	[smem:$0x3FAD] =	sst s4  }
0xd: {  	[smem:$0x3FAE] =	sst s5  }
0xe: {  	[smem:$0x3FAF] =	sst s6  }
0xf: {  	[smem:$0x3FB0] =	sst s7  }
0x10: {  	[smem:$0x3FB1] =	sst s8  }
0x11: {  	[smem:$0x3FB2] =	sst s9;
	s0 =	simm.s32 @!p0 $0x0  }
0x12: {  	s1 =	sld [smem:$0x3F98];
	s0 =	simm.s32 @p0 $0x1  }
0x13: {  	[smem:$0x3FB3] =	sst s0;
	s0 =	simm.s32 @!p1 $0x0  }
0x14: {  	s2 =	sld [smem:$0x3F97];
	s0 =	simm.s32 @p1 $0x1  }
0x15: {  	[smem:$0x3FB4] =	sst s0;
	s0 =	simm.s32 @!p2 $0x0  }
0x16: {  	s3 =	sld [smem:$0x3FDB];
	s0 =	simm.s32 @p2 $0x1  }
0x17: {  	s4 =	simm.s32 $0x1BF5;
	[smem:$0x3FB6] =	sst s0  }
0x18: {  	s0 =	sld [smem:$0x3F99];
	_ =	swait.ge [sflag:s4], $0x0  }
0x19: {  	s7 =	sld [smem:$0x3F9A]  }
0x1a: {  	s8 =	sadd.s32 $0xFFFFE003, lr  }
0x1b: {  	s9 =	sadd.s32 $0xFFFFFEF7, lr;
	s5 =	simm.s32 $0xFFFFFFFF;
	p2 =	slt.u32 s8, $0xFFFFF086  }
0x1c: {  	p1 =	slt.u32 s9, $0xF7A;
	s5 =	simm.s32 @!p2 $0x0  }
0x1d: {  	s5 =	simm.s32 @p1 $0x1;
	p0 =	seq.s32 s7, s2  }
0x1e: {  	s7 =	smul.u32 @!p0 $0xF7A, s2;
	p2 =	seq.s32 @!p0 s5, $0x0  }
0x1f: {  	s9 =	smul.u32 $0xF7A, s1;
	s8 =	simm.s32 @!p0 $0x1BF5;
	p2 =	por !p2, p0  }
0x20: {  	[sflag:s8] =	ssyncset.s32 @!p0 $0xFFFFF086;
	s6 =	sadd.s32 @!p0 s3, s7;
	s7 =	simm.s32 @!p0 $0x108  }
0x21: {  	s3 =	sadd.s32 s3, s9;
	s6 =	sadd.s32 @!p0 $0x88, s6;
	s7 =	simm.s32 @p2 $0x1082  }
0x22: {  	[simem:s7], [sflag:s8] =	dma.local @!p0 [hbm:s6], $0xF7A  }
0x23: {  	s9 =	sor.u32 $0xD0000000, s2;
	s6 =	simm.s32 $0x108;
	_ =	swait.ge @!p0 [sflag:s8], $0x0  }
0x24: {  	s3 =	sadd.s32 $0x88, s3;
	s6 =	simm.s32 @!p1 $0x1082;
	[sflag:s4] =	ssyncset.s32 $0xFFFFF086  }
0x25: {  	[simem:s6], [sflag:s4] =	dma.local [hbm:s3], $0xF7A  }
0x26: {  	[smem:$0x3F9A] =	sst s1;
	(tag) =	ssettag s2;
	_ =	strace s9  }
0x27: {  	s1 =	sld [smem:$0x3FAA]  }
0x28: {  	s2 =	sld [smem:$0x3FAB]  }
0x29: {  	s4 =	sld [smem:$0x3FAD]  }
0x2a: {  	p0 =	seq.s32 s5, $0x0;
	s5 =	sld [smem:$0x3FAE]  }
0x2b: {  	s6 =	sld [smem:$0x3FAF]  }
0x2c: {  	s7 =	sld [smem:$0x3FB0]  }
0x2d: {  	s3 =	simm.s32 $0x108;
	s8 =	sld [smem:$0x3FB1]  }
0x2e: {  	s3 =	simm.s32 @!p0 $0x1082;
	s9 =	sld [smem:$0x3FB2]  }
0x2f: {  	lr =	sadd.s32 s0, s3;
	s0 =	sld [smem:$0x3FA9]  }
0x30: {  	s3 =	sld [smem:$0x3FAC]  }
0x31: {  	[smem:$0x3FB5] =	sst s10  }
0x32: {  	s10 =	sld [smem:$0x3FB3];
	_ =	sdelay $0x3  }
0x33: {  	p0 =	seq.s32 s10, $0x1;
	s10 =	sld [smem:$0x3FB5];
	_ =	sdelay $0x3  }
0x34: {  	[smem:$0x3FB5] =	sst s10  }
0x35: {  	s10 =	sld [smem:$0x3FB4];
	_ =	sdelay $0x3  }
0x36: {  	p1 =	seq.s32 s10, $0x1;
	s10 =	sld [smem:$0x3FB5];
	_ =	sdelay $0x3  }
0x37: {  	[smem:$0x3FB5] =	sst s10  }
0x38: {  	s10 =	sld [smem:$0x3FB6]  }
0x39: {  	_ = 	snop;
	(pc) =	sbr.ind lr, $3  }
0x3a: {  	_ = 	snop  }
0x3b: {  	_ = 	snop  }
0x3c: {  	p2 =	seq.s32 s10, $0x1;
	s10 =	sld [smem:$0x3FB5]  }
0x3d: {  	_ =	shalt  }
0x3e: {  	_ =	shalt  }
0x3f: {  	_ =	shalt  }
0x40: {  	_ =	shalt  }
0x41: {  	_ =	shalt  }
0x42: {  	_ =	shalt  }
0x43: {  	_ =	shalt  }
0x44: {  	_ =	shalt  }
0x45: {  	_ =	shalt  }
0x46: {  	_ =	shalt  }
0x47: {  	_ =	shalt  }
0x48: {  	_ =	shalt  }
0x49: {  	_ =	shalt  }
0x4a: {  	_ =	shalt  }
0x4b: {  	_ =	shalt  }
0x4c: {  	_ =	shalt  }
0x4d: {  	_ =	shalt  }
0x4e: {  	_ =	shalt  }
0x4f: {  	_ =	shalt  }
0x50: {  	_ =	shalt  }
0x51: {  	_ =	shalt  }
0x52: {  	_ =	shalt  }
0x53: {  	_ =	shalt  }
0x54: {  	_ =	shalt  }
0x55: {  	_ =	shalt  }
0x56: {  	_ =	shalt  }
0x57: {  	_ =	shalt  }
0x58: {  	_ =	shalt  }
0x59: {  	_ =	shalt  }
0x5a: {  	_ =	shalt  }
0x5b: {  	_ =	shalt  }
0x5c: {  	_ =	shalt  }
0x5d: {  	_ =	shalt  }
0x5e: {  	_ =	shalt  }
0x5f: {  	_ =	shalt  }
0x60: {  	_ =	shalt  }
0x61: {  	_ =	shalt  }
0x62: {  	_ =	shalt  }
0x63: {  	_ =	shalt  }
0x64: {  	_ =	shalt  }
0x65: {  	_ =	shalt  }
0x66: {  	_ =	shalt  }
0x67: {  	_ =	shalt  }
0x68: {  	_ =	shalt  }
0x69: {  	_ =	shalt  }
0x6a: {  	_ =	shalt  }
0x6b: {  	_ =	shalt  }
0x6c: {  	_ =	shalt  }
0x6d: {  	_ =	shalt  }
0x6e: {  	_ =	shalt  }
0x6f: {  	_ =	shalt  }
0x70: {  	_ =	shalt  }
0x71: {  	_ =	shalt  }
0x72: {  	_ =	shalt  }
0x73: {  	_ =	shalt  }
0x74: {  	_ =	shalt  }
0x75: {  	_ =	shalt  }
0x76: {  	_ =	shalt  }
0x77: {  	_ =	shalt  }
0x78: {  	_ =	shalt  }
0x79: {  	_ =	shalt  }
0x7a: {  	_ =	shalt  }
0x7b: {  	_ =	shalt  }
0x7c: {  	_ =	shalt  }
0x7d: {  	_ =	shalt  }
0x7e: {  	_ =	shalt  }
0x7f: {  	_ =	shalt  }
0x80: {  	_ =	shalt  }
0x81: {  	_ =	shalt  }
0x82: {  	_ =	shalt  }
0x83: {  	_ =	shalt  }
0x84: {  	_ =	shalt  }
0x85: {  	_ =	shalt  }
0x86: {  	_ =	shalt  }
0x87: {  	_ =	shalt  }
.Lfunc_end0:
.L_simem_size_0:
called_computation.1_lowered:
.L_overlay_start_0:
0x88: {  	s2 =	sld [smem:$0x3FD9]  }
0x89: {  	s3 =	sld [smem:$0x3FFE];
	_ =	sdelay $0x1  }
0x8a: {  	s1 =	srdreg.scid  }
0x8b: {  	s0 =	sand.u32 $0x1, s1  }
0x8c: {  	s17 =	sshll.u32 s0, $0xA;
	s2 =	sadd.s32 s3, s2  }
0x8d: {  	s2 =	sadd.s32 s2, s17  }
0x8e: {  	[smem:$0x3FC1] =	sst s2  }
0x8f: {  	_ = 	snop  }
0x90: {  	s2 =	sld [smem:$0x3FC6]  }
0x91: {  	s18 =	sld [smem:$0x3FC4]  }
0x92: {  	s4 =	sld [smem:$0x3FC3];
	(tm) =	ssettm $0x1  }
0x93: {  	s5 =	sld [smem:$0x3FFB];
	_ =	sdelay $0x3  }
0x94: {  	_ =	strace s5  }
0x95: {  	s5 =	sld [smem:$0x3FFC];
	_ =	sdelay $0x3  }
0x96: {  	_ =	strace s5  }
0x97: {  	s5 =	sld [smem:$0x3FFD];
	_ =	sdelay $0x3  }
0x98: {  	_ =	strace s5  }
0x99: {  	_ =	strace $0x8FFFFFFF  }
0x9a: {  	s19 =	sld [smem:$0x3FDB];
	_ =	sdelay $0x1  }
0x9b: {  	s6 =	simm.s32 $_scs_section_size  }
0x9c: {  	s7 =	simm.s32 $_size__tile_overlayer_lowered;
	s8 =	simm.s32 $_tile_overlayer_lowered  }
0x9d: {  	s22 =	simm.s32 $0x1BFF;
	s21 =	sshll.u32 s8, $0x1;
	s5 =	sadd.s32 s6, s19  }
0x9e: {  	s9 =	simm.s32 $0x0;
	s20 =	sshll.u32 s7, $0x1;
	s7 =	sadd.s32 s21, s5  }
0x9f: {  	[timem:s9], [sflag:s22] =	dma.local [hbm:s7], s20  }
0xa0: {  	_ =	swait.ge [sflag:s22], s20  }
0xa1: {  	s6 =	ssub.s32 $0x0, s20;
	[sflag:s22] =	ssyncset.done $0x0  }
0xa2: {  	[sflag:s22] =	ssyncadd.s32 s6;
	_ =	sdelay $0x1  }
0xa3: {  	s23 =	simm.s32 $0x1B8B  }
0xa4: {  	_ =	swait.ge [sflag:s23], $0x1  }
0xa5: {  	[sflag:s23] =	ssyncset.done $0x0  }
0xa6: {  	s25 =	simm.s32 $0x1B8E;
	s24 =	sld [smem:$0x3FFE];
	[sflag:s23] =	ssyncadd.s32 $0xFFFFFFFF  }
0xa7: {  	s26 =	simm.s32 $execute0_lowered;
	[smem:$0x3FD2] =	sst s25  }
0xa8: {  	s7 =	sshll.u32 s26, $0x1;
	_ =	strace $0x80000046;
	[dreg:$0x1] =	wrdreg $0xFFFFFFFF  }
0xa9: {  	s28 =	simm.s32 $_size_execute0_lowered;
	s5 =	sadd.s32 s5, s7;
	[dreg:$0x0] =	wrdreg $0x0  }
0xaa: {  	s7 =	sshll.u32 s28, $0x1;
	[dreg:$0x2] =	wrdreg s5  }
0xab: {  	[dreg:$0x3] =	wrdreg s7  }
0xac: {  	[dreg:$0x4] =	wrdreg $0xC0  }
0xad: {  	_ =	task [dreg:s9], $0x5FFFF  }
0xae: {  	[dreg:$0x1] =	wrdreg $0xFFFFFFFF  }
0xaf: {  	[dreg:$0x0] =	wrdreg $0x60  }
0xb0: {  	[dreg:$0x2] =	wrdreg s24  }
0xb1: {  	[dreg:$0x3] =	wrdreg s2  }
0xb2: {  	[dreg:$0x4] =	wrdreg s18  }
0xb3: {  	[dreg:$0x5] =	wrdreg s4  }
0xb4: {  	[dreg:$0x6] =	wrdreg $0x9  }
0xb5: {  	_ =	task.clear_ibuf [dreg:s9], $0x7FFFF;
	_ =	strace $0x90000046  }
0xb6: {  	s29 =	simm.s32 $0x9;
	_ =	strace $0x80000048  }
0xb7: {  	_ =	swait.ge [sflag:s29], $0x1  }
0xb8: {  	[sflag:s29] =	ssyncadd.s32 $0xFFFFFFFF  }
0xb9: {  	_ =	strace $0x90000048  }
0xba: {  	_ =	sfence  }
0xbb: {  	s30 =	sld [smem:$0x0];
	_ =	sdelay $0x2  }
0xbc: {  	s31 =	sshll.u32 s1, $0xD;
	s1 =	sshrl.u32 s1, $0x2  }
0xbd: {  	s3 =	sand.u32 $0x4000, s31;
	s1 =	sadd.s32 s1, s30  }
0xbe: {  	s0 =	sor.u32 s3, s0;
	s1 =	sshll.u32 s1, $0x11  }
0xbf: {  	s0 =	sor.u32 s1, s0  }
0xc0: {  	s0 =	sadd.s32 $0x8F2B, s0  }
0xc1: {  	[sflag:s0] =	ssyncadd.remote.s32 $0x1  }
0xc2: {  	_ =	sfence.sel $0xFFFF  }
0xc3: {  	[dreg:$0x0] =	wrdreg $0xFFFFFFFF;
	(pc) =	sbr.abs _section_cstart, $3  }
0xc4: {  	[dreg:$0x1] =	wrdreg $0xFFFFFFFF  }
0xc5: {  	_ =	task.clear_ibuf [dreg:s9], $0x2FFFF;
	_ =	strace $0x9FFFFFFF  }
0xc6: {  	(tm) =	ssettm $0x7FFFFFFF  }
0xc7: {  	_ =	shalt  }
tec
execute0_lowered:
.L_overlay_start_1:
0x0: {  	(tag) =	ssettag $0x1  }
0x1: {  	s0 =	rddreg [dreg:$0x0]  }
0x2: {  	s5 =	simm.s32 $0x0;
	s1 =	srdreg.scid;
	s4 =	stileid.u32  }
0x3: {  	s14 =	simm.s32 $0x2;
	s21 =	simm.s32 $0x6700;
	s22 =	simm.s32 $0x6880  }
0x4: {  	s23 =	simm.s32 $0x1;
	[smem:$0x7FF] =	sst s5;
	s1 =	sand.u32 $0x1, s1  }
0x5: {  	s2 =	sshll.u32 s4, $0x1;
	s6 =	sadd.s32 $0x2C00, s0;
	s7 =	sadd.s32 $0x1BC00, s0  }
0x6: {  	s8 =	sadd.s32 $0x34C00, s0;
	s24 =	sadd.s32 $0xC00, s0;
	s3 =	smul.u32 $0x1900000, s4  }
0x7: {  	s11 =	sadd.s32 $0xF8200, s0;
	s4 =	smul.u32 $0xC800, s4;
	_ =	strace $0x80000047  }
0x8: {  	[dreg:$0x8] =	wrdreg s24;
	s25 =	ssub.s32 $0x2, s1;
	s29 =	smul.u32 $0x6400, s1  }
0x9: {  	s30 =	smul.u32 $0xC80000, s1;
	s26 =	sshrl.u32 s25, $0x1;
	s28 =	sshrl.u32 s3, $0x2  }
0xa: {  	s0 =	ssub.s32 s25, s26;
	[dreg:$0x5] =	wrdreg s28;
	s31 =	sadd.s32 s29, s4  }
0xb: {  	s2 =	sor.u32 s1, s2;
	s0 =	smax.u32 s0, $0x1;
	[dreg:$0xa] =	wrdreg s31  }
0xc: {  	s24 =	simm.s32 $0xA880;
	[dreg:$0x9] =	wrdreg s0;
	s0 =	sshrl.u32 s30, $0x2  }
0xd: {  	s1 =	simm.s32 $0x0;
	s9 =	smul.u32 $0x6400, s2;
	[dreg:$0x6] =	wrdreg s0  }
.LBB2_1:
0xe: {  	[dreg:$0xb] =	wrdreg s1  }
0xf: {  	s0 =	rddreg [dreg:$0x8]  }
0x10: {  	[tilespmem:s5], [sflag:$0x2] =	stream.linear.gather [hbm4b:s0+s5], $0x6400, $0x38;
	[tilespmem:$0xE880] =	vst v63  }
0x11: {  	_ =	swait.ge [sflag:s14], $0x6400  }
0x12: {  	[sflag:s14] =	ssyncset.done $0x0  }
0x13: {  	[sflag:s14] =	ssyncadd.s32 $0xFFFF9C00  }
0x14: {  	s20 =	simm.s32 $0x6400;
	s19 =	rddreg [dreg:$0x1]  }
0x15: {  	[tilespmem:s20], [sflag:$0x2] =	stream.linear.gather [hbm4b:s19+s5], $0x100, $0x38;
	[tilespmem:$0xE880] =	vst v63  }
0x16: {  	_ =	swait.ge [sflag:s14], $0x100  }
0x17: {  	[sflag:s14] =	ssyncset.done $0x0  }
0x18: {  	[sflag:s14] =	ssyncadd.s32 $0xFFFFFF00  }
0x19: {  	s26 =	simm.s32 $0x6500;
	s25 =	rddreg [dreg:$0x2]  }
0x1a: {  	[tilespmem:s26], [sflag:$0x2] =	stream.linear.gather [hbm4b:s25+s5], $0x80, $0x38;
	[tilespmem:$0xE880] =	vst v63  }
0x1b: {  	_ =	swait.ge [sflag:s14], $0x80  }
0x1c: {  	[sflag:s14] =	ssyncset.done $0x0  }
0x1d: {  	[sflag:s14] =	ssyncadd.s32 $0xFFFFFF80  }
0x1e: {  	s31 =	simm.s32 $0x6580;
	s30 =	rddreg [dreg:$0x3]  }
0x1f: {  	[tilespmem:s31], [sflag:$0x2] =	stream.linear.gather [hbm4b:s30+s5], $0x80, $0x38;
	[tilespmem:$0xE880] =	vst v63  }
0x20: {  	_ =	swait.ge [sflag:s14], $0x80  }
0x21: {  	[sflag:s14] =	ssyncset.done $0x0  }
0x22: {  	[sflag:s14] =	ssyncadd.s32 $0xFFFFFF80  }
0x23: {  	v0 =	vld [tilespmem:$0x6500]  }
0x24: {  	v1 =	vld [tilespmem:$0x6510]  }
0x25: {  	v2 =	vld [tilespmem:$0x6520]  }
0x26: {  	v5 =	vld [tilespmem:$0x6590]  }
0x27: {  	v6 =	vld [tilespmem:$0x65A0]  }
0x28: {  	v7 =	vld [tilespmem:$0x65B0]  }
0x29: {  	v4 =	vld [tilespmem:$0x6580]  }
0x2a: {  	s28 =	simm.s32 $0x0;
	s29 =	simm.s32 $0x0;
	s26 =	rddreg [dreg:$0xa];
	v3 =	vld [tilespmem:$0x6530]  }
.LBB2_2:
0x2b: {  	s0 =	sshll.u32 s29, $0x7  }
0x2c: {  	s30 =	sadd.s32 s9, s0  }
0x2d: {  	s0 =	sshrl.u32 s30, $0x3  }
0x2e: {  	s2 =	simm.s32 $0x0;
	s3 =	simm.s32 $0x6600;
	s1 =	sadd.s32 s6, s0  }
0x2f: {  	[tilespmem:s3], [sflag:$0x2] =	stream.linear.gather [hbm4b:s1+s2], $0x80, $0x38;
	[tilespmem:$0xE880] =	vst v63  }
0x30: {  	_ =	swait.ge [sflag:s14], $0x80  }
0x31: {  	[sflag:s14] =	ssyncset.done $0x0  }
0x32: {  	s16 =	simm.s32 $0x6780;
	s0 =	sadd.s32 s7, s0;
	[sflag:s14] =	ssyncadd.s32 $0xFFFFFF80  }
0x33: {  	[tilespmem:s16], [sflag:$0x2] =	stream.linear.gather [hbm4b:s0+s2], $0x80, $0x38;
	[tilespmem:$0xE880] =	vst v63  }
0x34: {  	_ =	swait.ge [sflag:s14], $0x80  }
0x35: {  	[sflag:s14] =	ssyncset.done $0x0  }
0x36: {  	[sflag:s14] =	ssyncadd.s32 $0xFFFFFF80  }
0x37: {  	v8 =	vld [tilespmem:$0x6600]  }
0x38: {  	v9 =	vld [tilespmem:$0x6610]  }
0x39: {  	v10 =	vld [tilespmem:$0x6620]  }
0x3a: {  	v11 =	vld [tilespmem:$0x6630]  }
0x3b: {  	v12 =	vld [tilespmem:$0x6640]  }
0x3c: {  	v13 =	vld [tilespmem:$0x6650];
	v8 =	vshrl.u32 v8, $0x1  }
0x3d: {  	[tilespmem:$0x6700] =	vst v8;
	v8 =	vshrl.u32 v9, $0x1;
	v9 =	vld [tilespmem:$0x6660]  }
0x3e: {  	[tilespmem:$0x6710] =	vst v8;
	v8 =	vshrl.u32 v10, $0x1;
	v10 =	vld [tilespmem:$0x6670]  }
0x3f: {  	[tilespmem:$0x6720] =	vst v8;
	v8 =	vshrl.u32 v11, $0x1  }
0x40: {  	[tilespmem:$0x6730] =	vst v8;
	v8 =	vshrl.u32 v12, $0x1  }
0x41: {  	[tilespmem:$0x6740] =	vst v8;
	v8 =	vshrl.u32 v13, $0x1  }
0x42: {  	[tilespmem:$0x6750] =	vst v8;
	v8 =	vshrl.u32 v9, $0x1  }
0x43: {  	[tilespmem:$0x6760] =	vst v8;
	v8 =	vshrl.u32 v10, $0x1  }
0x44: {  	s17 =	simm.s32 $0x80;
	[tilespmem:$0x6770] =	vst v8  }
0x45: {  	[tilespmem:s22], [sflag:$0x1] =	stream.indirect.gather [hbm4b:s8+s17], $0x80, s21, s17, $0xb8;
	[tilespmem:$0xE880] =	vst v63  }
0x46: {  	_ =	swait.ge [sflag:s23], $0x4000  }
0x47: {  	s18 =	sshra.s32 s28, $0x2;
	[sflag:s23] =	ssyncset.done $0x0  }
0x48: {  	s19 =	simm.s32 $0x6781;
	[dreg:$0x7] =	wrdreg s18;
	[sflag:s23] =	ssyncadd.s32 $0xFFFFC000  }
0x49: {  	s20 =	simm.s32 $0x6601;
	v8 =	vld [tilespmem:s19+$0x0]  }
0x4a: {  	v9 =	vld [tilespmem:s20+$0x0];
	_ =	sdelay $0x3  }
0x4b: {  	(v2sf) =	vpush v8, $0x0  }
0x4c: {  	(v2sf) =	vpush v9, $0x0;
	_ =	sdelay $0x2  }
0x4d: {  	s25 =	smulhi.u32 $0x51EB851F, s26  }
0x4e: {  	v8 =	vld [tilespmem:s20+$0xFFFFFFFF]  }
0x4f: {  	s2 =	sshrl.u32 s25, $0x6  }
0x50: {  	s0 =	smul.u32 $0xFFFE7000, s2;
	_ =	sdelay $0x1  }
0x51: {  	s0 =	sshra.s32 s0, $0x2;
	s3 =	rddreg [dreg:$0x5]  }
0x52: {  	s10 =	rddreg [dreg:$0x6];
	s0 =	sadd.s32 s0, s3;
	(v2sf) =	vpush v8, $0x0  }
0x53: {  	s4 =	rddreg [dreg:$0x7];
	s0 =	sadd.s32 s10, s0;
	v8 =	vld [tilespmem:s19+$0xFFFFFFFF]  }
0x54: {  	s0 =	sadd.s32 s4, s0  }
0x55: {  	s12 =	sadd.s32 $0x0, s0  }
0x56: {  	v10 =	vld [tilespmem:s12+$0x90]  }
0x57: {  	v11 =	vld [tilespmem:s12+$0xA0];
	s13 =	spop (v2sf)  }
0x58: {  	v12 =	vld [tilespmem:s12+$0xB0];
	(v2sf) =	vpush v8, $0x0;
	s0 =	sshll.u32 s13, $0x9;
	s15 =	spop (v2sf)  }
0x59: {  	v9 =	vld [tilespmem:s12+$0x80];
	s2 =	sand.u32 $0x1, s15;
	s0 =	sshra.s32 s0, $0x2  }
0x5a: {  	s2 =	sshll.u32 s2, $0x6;
	v13 =	vld [tilespmem:s0+$0x6400]  }
0x5b: {  	v14 =	vld [tilespmem:s0+$0x6410];
	s2 =	sadd.s32 $0x0, s2  }
0x5c: {  	v15 =	vld [tilespmem:s2+$0x6900]  }
0x5d: {  	v16 =	vld [tilespmem:s2+$0x6910]  }
0x5e: {  	v17 =	vld [tilespmem:s2+$0x6920]  }
0x5f: {  	v18 =	vld [tilespmem:s2+$0x6930]  }
0x60: {  	v19 =	vld [tilespmem:s0+$0x6420]  }
0x61: {  	v20 =	vld [tilespmem:s0+$0x6430];
	s16 =	spop (v2sf)  }
0x62: {  	s0 =	sand.u32 $0x1, s16  }
0x63: {  	s0 =	sshll.u32 s0, $0x6;
	v8 =	vadd.f32 v9, v15;
	v9 =	vadd.f32 v10, v16  }
0x64: {  	s0 =	sadd.s32 $0x0, s0;
	v11 =	vadd.f32 v11, v17;
	v15 =	vadd.f32 v12, v18  }
0x65: {  	s18 =	simm.s32 $0x6603;
	v22 =	vld [tilespmem:s0+$0x68A0];
	v10 =	vadd.f32 v13, v8;
	v8 =	vadd.f32 v14, v9  }
0x66: {  	s17 =	simm.s32 $0x6783;
	v18 =	vld [tilespmem:s18+$0x0];
	v12 =	vadd.f32 v19, v11;
	v9 =	vadd.f32 v20, v15  }
0x67: {  	s19 =	spop (v2sf);
	v15 =	vld [tilespmem:s17+$0x0];
	v11 =	vmul.f32 v10, v10;
	v14 =	vmul.f32 v8, v8  }
0x68: {  	s20 =	sshll.u32 s19, $0x9;
	v13 =	vld [tilespmem:s0+$0x6880];
	v16 =	vmul.f32 v12, v12;
	v17 =	vmul.f32 v9, v9  }
0x69: {  	v19 =	vld [tilespmem:s0+$0x6890];
	s3 =	sshra.s32 s20, $0x2;
	v20 =	vadd.f32 v8, v10;
	v21 =	vadd.f32 v9, v12  }
0x6a: {  	v23 =	vld [tilespmem:s3+$0x6410];
	v11 =	vadd.f32 v14, v11;
	v14 =	vadd.f32 v17, v16  }
0x6b: {  	v16 =	vld [tilespmem:s0+$0x68B0];
	v17 =	vadd.f32 v21, v20  }
0x6c: {  	v20 =	vld [tilespmem:s12+$0x0];
	(v2sf) =	vpush v15, $0x0;
	v11 =	vadd.f32 v14, v11  }
0x6d: {  	v21 =	vld [tilespmem:s3+$0x6400];
	(xrf2) =	vadd.scan.msk.f32 $0xffff, v17;
	(v2sf) =	vpush v18, $0x0  }
0x6e: {  	(xrf2) =	vadd.scan.msk.f32 $0xffff, v11;
	v11 =	vld [tilespmem:s18+$0xFFFFFFFF]  }
0x6f: {  	s0 =	sadd.s32 $0x2, s26;
	v15 =	vld [tilespmem:s12+$0x20]  }
0x70: {  	s25 =	smulhi.u32 $0x51EB851F, s0;
	v14 =	vld [tilespmem:s12+$0x10]  }
0x71: {  	v18 =	vld [tilespmem:s12+$0x30]  }
0x72: {  	v17 =	vld [tilespmem:s17+$0xFFFFFFFF];
	s2 =	sshrl.u32 s25, $0x6  }
0x73: {  	s1 =	smul.u32 $0xFFFE7000, s2;
	(v2sf) =	vpush v11, $0x0;
	v11 =	vld [tilespmem:s3+$0x6420]  }
0x74: {  	v13 =	vadd.f32 v20, v13;
	v20 =	vld [tilespmem:s3+$0x6430]  }
0x75: {  	s4 =	rddreg [dreg:$0x5];
	s1 =	sshra.s32 s1, $0x2;
	v15 =	vadd.f32 v15, v22;
	v19 =	vadd.f32 v14, v19  }
0x76: {  	s10 =	rddreg [dreg:$0x6];
	s1 =	sadd.s32 s1, s4;
	v16 =	vadd.f32 v18, v16;
	v14 =	vadd.f32 v21, v13  }
0x77: {  	s12 =	rddreg [dreg:$0x7];
	s1 =	sadd.s32 s10, s1;
	v13 =	vadd.f32 v23, v19;
	(v2sf) =	vpush v17, $0x0;
	v17, _, _ =	vpop (xrf2)  }
0x78: {  	s1 =	sadd.s32 s12, s1;
	(v2sf) =	vpush v17, $0xF;
	v17, _, _ =	vpop (xrf2);
	v15 =	vadd.f32 v11, v15  }
0x79: {  	s2 =	sadd.s32 $0x100, s1;
	v11 =	vadd.f32 v20, v16;
	(v2sf) =	vpush v17, $0xF  }
0x7a: {  	v19 =	vmul.f32 v13, v13;
	v24 =	vld [tilespmem:s2+$0xA0];
	v17 =	vmul.f32 v14, v14  }
0x7b: {  	v16 =	vld [tilespmem:s2+$0x80];
	s13 =	spop (v2sf);
	v21 =	vmul.f32 v15, v15;
	v23 =	vmul.f32 v11, v11  }
0x7c: {  	v18 =	vadd.f32 v13, v14;
	v20 =	vld [tilespmem:s2+$0x90];
	v22 =	vadd.f32 v11, v15;
	s1 =	sshll.u32 s13, $0x9;
	s15 =	spop (v2sf)  }
0x7d: {  	v17 =	vadd.f32 v19, v17;
	v19 =	vld [tilespmem:s2+$0xB0];
	s3 =	sand.u32 $0x1, s15;
	s1 =	sshra.s32 s1, $0x2;
	v21 =	vadd.f32 v23, v21  }
0x7e: {  	v18 =	vadd.f32 v22, v18;
	s3 =	sshll.u32 s3, $0x6;
	v22 =	vld [tilespmem:s1+$0x6400]  }
0x7f: {  	v23 =	vld [tilespmem:s1+$0x6410];
	s3 =	sadd.s32 $0x100, s3;
	v17 =	vadd.f32 v21, v17  }
0x80: {  	(xrf2) =	vadd.scan.msk.f32 $0xffff, v18;
	v18 =	vld [tilespmem:s3+$0x6900]  }
0x81: {  	v21 =	vld [tilespmem:s3+$0x6910];
	(xrf2) =	vadd.scan.msk.f32 $0xffff, v17  }
0x82: {  	v25 =	vld [tilespmem:s3+$0x6930]  }
0x83: {  	v17 =	vld [tilespmem:s3+$0x6920]  }
0x84: {  	v27 =	vld [tilespmem:s1+$0x6430]  }
0x85: {  	v26 =	vld [tilespmem:s1+$0x6420];
	s16 =	spop (v2sf)  }
0x86: {  	s25 =	simm.s32 $0x6605;
	s17 =	sand.u32 $0x1, s16;
	s18 =	spop (v2sf);
	v16 =	vadd.f32 v16, v18  }
0x87: {  	v32 =	vld [tilespmem:s25+$0x0];
	s12 =	simm.s32 $0x6785;
	s3 =	sshll.u32 s17, $0x6;
	v18 =	vadd.f32 v20, v21;
	v21 =	vadd.f32 v19, v25;
	s19 =	spop (v2sf)  }
0x88: {  	v29 =	vld [tilespmem:s12+$0x0];
	s3 =	sadd.s32 $0x100, s3;
	v17 =	vadd.f32 v24, v17;
	v19 =	vadd.f32 v22, v16;
	s1 =	smul.f32 $1.562500000e-02, s19;
	s10 =	spop (v2sf)  }
0x89: {  	v28 =	vld [tilespmem:s3+$0x6880];
	v16 =	vadd.f32 v23, v18;
	v23 =	vadd.f32 v27, v21;
	s10 =	smul.f32 $1.562500000e-02, s10  }
0x8a: {  	v20 =	vld [tilespmem:s3+$0x6890];
	v18 =	vadd.f32 v26, v17;
	v22, _, _ =	vpop (xrf2);
	s20 =	smul.f32 s1, s1  }
0x8b: {  	v24 =	vld [tilespmem:s3+$0x68A0];
	v21 =	vmul.f32 v19, v19;
	v31 =	vmul.f32 v23, v23;
	(v2sf) =	vpush v22, $0xF;
	v26, _, _ =	vpop (xrf2)  }
0x8c: {  	v25 =	vld [tilespmem:s3+$0x68B0];
	v22 =	vmul.f32 v16, v16;
	v30 =	vmul.f32 v18, v18;
	s3 =	ssub.f32 s10, s20;
	(v2sf) =	vpush v26, $0xF  }
0x8d: {  	v33 =	vld [tilespmem:s2+$0x10];
	v27 =	vadd.f32 v16, v19;
	v26 =	vadd.f32 v23, v18  }
0x8e: {  	v17 =	vld [tilespmem:s2+$0x0];
	v21 =	vadd.f32 v22, v21;
	v22 =	vadd.f32 v31, v30;
	s3 =	sadd.f32 $9.999999740e-06, s3  }
0x8f: {  	v30 =	vld [tilespmem:s2+$0x20];
	(v2sf) =	vpush v29, $0x0;
	v26 =	vadd.f32 v26, v27  }
0x90: {  	v29 =	vld [tilespmem:s2+$0x30];
	(v2sf) =	vpush v32, $0x0;
	v31 =	vmov s3  }
0x91: {  	s10 =	sshll.u32 s18, $0x9;
	v27 =	vld [tilespmem:s25+$0xFFFFFFFF];
	v21 =	vadd.f32 v22, v21;
	(xrf2) =	vadd.scan.msk.f32 $0xffff, v26;
	v26 =	vshrl.u32 v31, $0x1;
	v31 =	vmul.f32 $5.000000000e-01, v31  }
0x92: {  	v22 =	vld [tilespmem:s12+$0xFFFFFFFF];
	s3 =	sshra.s32 s10, $0x2;
	v26 =	vsub.s32 $0x5F3759DF, v26  }
0x93: {  	(xrf2) =	vadd.scan.msk.f32 $0xffff, v21;
	v21 =	vld [tilespmem:s3+$0x6400];
	v56 =	vmul.f32 v26, v31  }
0x94: {  	s0 =	sadd.s32 $0x2, s0;
	v34 =	vld [tilespmem:s3+$0x6410]  }
0x95: {  	s12 =	smulhi.u32 $0x51EB851F, s0;
	v35 =	vld [tilespmem:s3+$0x6420];
	v32 =	vmul.f32 v26, v56  }
0x96: {  	v17 =	vadd.f32 v17, v28;
	v28 =	vld [tilespmem:s3+$0x6430];
	(v2sf) =	vpush v27, $0x0  }
0x97: {  	s2 =	sshrl.u32 s12, $0x6;
	v32 =	vsub.f32 $1.500000000e+00, v32  }
0x98: {  	v20 =	vadd.f32 v33, v20;
	v24 =	vadd.f32 v30, v24;
	s2 =	smul.u32 $0xFFFE7000, s2  }
0x99: {  	s13 =	rddreg [dreg:$0x5];
	(v2sf) =	vpush v22, $0x0;
	v22 =	vadd.f32 v29, v25;
	v25 =	vmul.f32 v26, v32  }
0x9a: {  	s15 =	rddreg [dreg:$0x6];
	s2 =	sshra.s32 s2, $0x2;
	v17 =	vadd.f32 v21, v17;
	v21 =	vadd.f32 v34, v20;
	s17 =	spop (v2sf)  }
0x9b: {  	s2 =	sadd.s32 s2, s13;
	v20 =	vadd.f32 v35, v24;
	v22 =	vadd.f32 v28, v22;
	s12 =	smul.f32 $1.562500000e-02, s17;
	v26 =	vmul.f32 v25, v31;
	s18 =	spop (v2sf)  }
0x9c: {  	s16 =	rddreg [dreg:$0x7];
	s2 =	sadd.s32 s15, s2;
	v27 =	vmul.f32 v17, v17;
	v28 =	vadd.f32 v21, v17;
	v24, _, _ =	vpop (xrf2);
	s19 =	smul.f32 $1.562500000e-02, s18  }
0x9d: {  	s2 =	sadd.s32 s16, s2;
	v29 =	vadd.f32 v22, v20;
	(v2sf) =	vpush v24, $0xF;
	v24, _, _ =	vpop (xrf2);
	s20 =	smul.f32 s12, s12;
	v26 =	vmul.f32 v26, v25  }
0x9e: {  	s3 =	sadd.s32 $0x200, s2;
	v30 =	vmul.f32 v20, v20;
	v57 =	vmul.f32 v22, v22;
	(v2sf) =	vpush v24, $0xF;
	s10 =	spop (v2sf)  }
0x9f: {  	v58 =	vld [tilespmem:s3+$0x90];
	v28 =	vadd.f32 v29, v28;
	v24 =	vmul.f32 v21, v21;
	s13 =	spop (v2sf);
	s25 =	ssub.f32 s19, s20;
	v26 =	vsub.f32 $1.500000000e+00, v26  }
0xa0: {  	v29 =	vld [tilespmem:s3+$0x80];
	s4 =	sshll.u32 s10, $0x9;
	s10 =	sand.u32 $0x1, s13  }
0xa1: {  	(xrf2) =	vadd.scan.msk.f32 $0xffff, v28;
	v28 =	vld [tilespmem:s3+$0xA0];
	v24 =	vadd.f32 v24, v27;
	v27 =	vadd.f32 v57, v30;
	s10 =	sshll.u32 s10, $0x6;
	s2 =	sadd.f32 $9.999999740e-06, s25;
	v26 =	vmul.f32 v26, v25  }
0xa2: {  	v30 =	vld [tilespmem:s3+$0xB0];
	s15 =	sadd.s32 $0x200, s10  }
0xa3: {  	s4 =	sshra.s32 s4, $0x2;
	v24 =	vadd.f32 v27, v24;
	v40 =	vld [tilespmem:s15+$0x6920];
	v27 =	vmov s2;
	v25 =	vmul.f32 v26, v31  }
0xa4: {  	v41 =	vld [tilespmem:s4+$0x6420];
	v60 =	vshrl.u32 v27, $0x1;
	v35 =	vmul.f32 $5.000000000e-01, v27  }
0xa5: {  	v37 =	vmov s12;
	v36 =	vld [tilespmem:s15+$0x6900];
	(xrf2) =	vadd.scan.msk.f32 $0xffff, v24;
	s16 =	spop (v2sf);
	v34 =	vsub.s32 $0x5F3759DF, v60;
	v24 =	vmul.f32 v25, v26  }
0xa6: {  	v27 =	vsub.f32 v14, v37;
	s10 =	sand.u32 $0x1, s16;
	v14 =	vmul.f32 v34, v35;
	v25 =	vsub.f32 v15, v37;
	v15 =	vld [tilespmem:s15+$0x6930]  }
0xa7: {  	v38 =	vld [tilespmem:s15+$0x6910];
	s17 =	sshll.u32 s10, $0x6;
	v39 =	vsub.f32 $1.500000000e+00, v24;
	v24 =	vsub.f32 v13, v37;
	v13 =	vmov s1  }
0xa8: {  	v31 =	vld [tilespmem:s4+$0x6400];
	s19 =	sadd.s32 $0x200, s17;
	v28 =	vadd.f32 v28, v40;
	v14 =	vmul.f32 v34, v14;
	v10 =	vsub.f32 v10, v13  }
0xa9: {  	v33 =	vld [tilespmem:s19+$0x68A0];
	v9 =	vsub.f32 v9, v13;
	v8 =	vsub.f32 v8, v13;
	v39 =	vmul.f32 v39, v26  }
0xaa: {  	v12 =	vsub.f32 v12, v13;
	v13 =	vld [tilespmem:s3+$0x20];
	v14 =	vsub.f32 $1.500000000e+00, v14  }
0xab: {  	s18 =	spop (v2sf);
	v26 =	vsub.f32 v11, v37;
	v11 =	vld [tilespmem:s4+$0x6430];
	v15 =	vadd.f32 v30, v15;
	v61 =	vmul.f32 v39, v10  }
0xac: {  	s13 =	simm.s32 $0x6787;
	v59 =	vld [tilespmem:s4+$0x6410];
	s20 =	spop (v2sf);
	v43 =	vmul.f32 v39, v9;
	v9 =	vadd.f32 v29, v36;
	v14 =	vmul.f32 v34, v14  }
0xad: {  	v50 =	vld [tilespmem:s13+$0x0];
	s2 =	simm.s32 $0x6607;
	s1 =	smul.f32 $1.562500000e-02, s20;
	s25 =	spop (v2sf);
	v63 =	vmul.f32 v39, v8;
	v8 =	vadd.f32 v41, v28;
	v12 =	vmul.f32 v39, v12;
	v10, _, _ =	vpop (xrf2)  }
0xae: {  	v45 =	vld [tilespmem:s2+$0x0];
	s4 =	smul.f32 $1.562500000e-02, s25;
	(v2sf) =	vpush v10, $0xF;
	v10 =	vadd.f32 v58, v38;
	v29 =	vmul.f32 v43, v3  }
0xaf: {  	v48 =	vld [tilespmem:s3+$0x0];
	v9 =	vadd.f32 v31, v9;
	s12 =	smul.f32 s1, s1;
	v28 =	vmul.f32 v14, v35;
	v41 =	vmul.f32 v8, v8  }
0xb0: {  	v57 =	vld [tilespmem:s3+$0x30];
	v31, _, _ =	vpop (xrf2);
	v37 =	vmul.f32 v61, v0;
	v13 =	vadd.f32 v13, v33;
	v11 =	vadd.f32 v11, v15  }
0xb1: {  	v55 =	vld [tilespmem:s13+$0xFFFFFFFF];
	(v2sf) =	vpush v31, $0xF;
	v10 =	vadd.f32 v59, v10;
	s4 =	ssub.f32 s4, s12;
	v31 =	vmul.f32 v9, v9  }
0xb2: {  	v46 =	vld [tilespmem:s2+$0xFFFFFFFF];
	v28 =	vmul.f32 v28, v14;
	(v2sf) =	vpush v50, $0x0;
	v51 =	vmul.f32 v11, v11  }
0xb3: {  	v62 =	vld [tilespmem:s19+$0x6890];
	v44 =	vadd.f32 v11, v8;
	(v2sf) =	vpush v45, $0x0;
	v49 =	vmul.f32 v10, v10;
	s4 =	sadd.f32 $9.999999740e-06, s4  }
0xb4: {  	v30 =	vld [tilespmem:s19+$0x68B0];
	v34 =	vmul.f32 v63, v1;
	v52 =	vadd.f32 v10, v9;
	v28 =	vsub.f32 $1.500000000e+00, v28  }
0xb5: {  	s15 =	sshll.u32 s18, $0x9;
	v15 =	vld [tilespmem:s3+$0x10];
	v53 =	vadd.f32 v51, v41;
	v31 =	vadd.f32 v49, v31;
	v54 =	vmov s4  }
0xb6: {  	v42 =	vld [tilespmem:s19+$0x6880];
	v39 =	vadd.f32 v44, v52;
	s4 =	sshra.s32 s15, $0x2;
	v56 =	vshrl.u32 v54, $0x1;
	v41 =	vmul.f32 $5.000000000e-01, v54  }
0xb7: {  	v29 =	vadd.f32 v29, v7;
	v58 =	vld [tilespmem:s4+$0x6400];
	v31 =	vadd.f32 v53, v31;
	v44 =	vsub.s32 $0x5F3759DF, v56  }
0xb8: {  	v36 =	vadd.f32 v37, v4;
	v28 =	vmul.f32 v28, v14;
	v60 =	vld [tilespmem:s4+$0x6410];
	(xrf2) =	vadd.scan.msk.f32 $0xffff, v39;
	v59 =	vmul.f32 v44, v41  }
0xb9: {  	v30 =	vadd.f32 v57, v30;
	v37 =	vadd.f32 v34, v5;
	v61 =	vld [tilespmem:s4+$0x6420];
	(xrf2) =	vadd.scan.msk.f32 $0xffff, v31  }
0xba: {  	v15 =	vadd.f32 v15, v62;
	v63 =	vld [tilespmem:s4+$0x6430];
	s4 =	sadd.s32 $0x2, s0;
	v35 =	vmul.f32 v28, v35;
	v62 =	vmul.f32 v44, v59  }
0xbb: {  	(v2sf) =	vpush v46, $0x0;
	s0 =	smulhi.u32 $0x51EB851F, s4;
	v31 =	vadd.f32 v48, v42  }
0xbc: {  	v46 =	vmul.f32 v12, v2;
	v47 =	vmul.f32 v35, v28;
	v12 =	vsub.f32 $1.500000000e+00, v62  }
0xbd: {  	s0 =	sshrl.u32 s0, $0x6;
	v14 =	vadd.f32 v58, v31;
	v15 =	vadd.f32 v60, v15  }
0xbe: {  	(v2sf) =	vpush v55, $0x0;
	s0 =	smul.u32 $0xFFFE7000, s0;
	v49 =	vsub.f32 $1.500000000e+00, v47;
	v31 =	vmul.f32 v44, v12  }
0xbf: {  	s17 =	rddreg [dreg:$0x5];
	v13 =	vadd.f32 v61, v13;
	v48 =	vmul.f32 v14, v14;
	v51 =	vmul.f32 v15, v15;
	s16 =	spop (v2sf)  }
0xc0: {  	s0 =	sshra.s32 s0, $0x2;
	v28 =	vmul.f32 v49, v28;
	v12 =	vadd.f32 v63, v30;
	s3 =	smul.f32 $1.562500000e-02, s16;
	s13 =	spop (v2sf);
	v30 =	vmul.f32 v31, v41  }
0xc1: {  	s18 =	rddreg [dreg:$0x6];
	v39 =	vadd.f32 v46, v6;
	v50 =	vadd.f32 v15, v14;
	v53 =	vmul.f32 v13, v13;
	s0 =	sadd.s32 s0, s17;
	s13 =	smul.f32 $1.562500000e-02, s13  }
0xc2: {  	s15 =	rddreg [dreg:$0x7];
	s0 =	sadd.s32 s18, s0;
	v32 =	vadd.f32 v51, v48;
	v27 =	vmul.f32 v28, v27;
	v52, _, _ =	vpop (xrf2);
	s19 =	smul.f32 s3, s3;
	v30 =	vmul.f32 v30, v31  }
0xc3: {  	s0 =	sadd.s32 s15, s0;
	v62 =	vmul.f32 v28, v24;
	v54 =	vadd.f32 v12, v13;
	(v2sf) =	vpush v52, $0xF;
	v56, _, _ =	vpop (xrf2)  }
0xc4: {  	v55 =	vmul.f32 v12, v12;
	s16 =	sadd.s32 $0x300, s0;
	s10 =	spop (v2sf);
	s20 =	ssub.f32 s13, s19;
	(v2sf) =	vpush v56, $0xF;
	v30 =	vsub.f32 $1.500000000e+00, v30  }
0xc5: {  	v25 =	vmul.f32 v28, v25;
	v26 =	vmul.f32 v28, v26;
	v35 =	vld [tilespmem:s16+$0x80];
	s12 =	spop (v2sf);
	v58 =	vadd.f32 v54, v50  }
0xc6: {  	v57 =	vmov s3;
	v33 =	vld [tilespmem:s16+$0xA0];
	v59 =	vadd.f32 v55, v53;
	s13 =	sand.u32 $0x1, s12;
	s25 =	sadd.f32 $9.999999740e-06, s20;
	v30 =	vmul.f32 v30, v31  }
0xc7: {  	v63 =	vld [tilespmem:s16+$0xB0];
	v25 =	vmul.f32 v25, v2;
	v17 =	vsub.f32 v17, v57;
	v21 =	vsub.f32 v21, v57;
	(xrf2) =	vadd.scan.msk.f32 $0xffff, v58;
	s0 =	sshll.u32 s13, $0x6  }
0xc8: {  	v20 =	vsub.f32 v20, v57;
	s0 =	sadd.s32 $0x300, s0;
	v31 =	vld [tilespmem:s16+$0x90];
	v60 =	vmov s25;
	v61 =	vmul.f32 v30, v41  }
0xc9: {  	v32 =	vadd.f32 v59, v32;
	v56 =	vld [tilespmem:s0+$0x6900];
	v51 =	vshrl.u32 v60, $0x1;
	v24 =	vmul.f32 $5.000000000e-01, v60  }
0xca: {  	v22 =	vsub.f32 v22, v57;
	v57 =	vld [tilespmem:s0+$0x6910];
	v53 =	vsub.s32 $0x5F3759DF, v51;
	v40 =	vmul.f32 v61, v30  }
0xcb: {  	s3 =	sshll.u32 s10, $0x9;
	v26 =	vmul.f32 v26, v3;
	v58 =	vmov s1;
	(xrf2) =	vadd.scan.msk.f32 $0xffff, v32;
	v59 =	vld [tilespmem:s0+$0x6920];
	v28 =	vmul.f32 v53, v24  }
0xcc: {  	s3 =	sshra.s32 s3, $0x2;
	v55 =	vmul.f32 v27, v0;
	v19 =	vsub.f32 v19, v58;
	v47 =	vld [tilespmem:s0+$0x6930];
	v40 =	vsub.f32 $1.500000000e+00, v40  }
0xcd: {  	v52 =	vld [tilespmem:s3+$0x6400];
	v23 =	vsub.f32 v23, v58;
	v16 =	vsub.f32 v16, v58;
	v28 =	vmul.f32 v53, v28  }
0xce: {  	s15 =	spop (v2sf);
	v54 =	vld [tilespmem:s3+$0x6410];
	v18 =	vsub.f32 v18, v58;
	v32 =	vadd.f32 v55, v4;
	v40 =	vmul.f32 v40, v30  }
0xcf: {  	v27 =	vmul.f32 v62, v1;
	s1 =	sand.u32 $0x1, s15;
	v60 =	vld [tilespmem:s3+$0x6420];
	v43 =	vadd.f32 v35, v56;
	v28 =	vsub.f32 $1.500000000e+00, v28  }
0xd0: {  	s17 =	sshll.u32 s1, $0x6;
	v41 =	vadd.f32 v31, v57;
	v48 =	vmul.f32 v40, v19;
	v19 =	vmul.f32 v40, v23;
	v23 =	vld [tilespmem:s3+$0x6430]  }
0xd1: {  	v38 =	vld [tilespmem:s16+$0x10];
	s19 =	spop (v2sf);
	s1 =	simm.s32 $0x0;
	s18 =	sadd.s32 $0x300, s17;
	v33 =	vadd.f32 v33, v59;
	v42 =	vadd.f32 v63, v47;
	v30, _, _ =	vpop (xrf2);
	v28 =	vmul.f32 v53, v28  }
0xd2: {  	[tilespmem:s1+$0xA930] =	vst v29;
	v34 =	vld [tilespmem:s18+$0x68A0];
	(v2sf) =	vpush v30, $0xF;
	v49 =	vmul.f32 v40, v16;
	s20 =	spop (v2sf);
	v16 =	vmul.f32 v19, v3  }
0xd3: {  	[tilespmem:s1+$0xA900] =	vst v36;
	v29 =	vld [tilespmem:s18+$0x68B0];
	v35 =	vmul.f32 v40, v18;
	v18 =	vadd.f32 v54, v41;
	v61 =	vmul.f32 v28, v24;
	s15 =	smul.f32 $1.562500000e-02, s20;
	s25 =	spop (v2sf)  }
0xd4: {  	s31 =	simm.s32 $0x200;
	[tilespmem:s1+$0xA880] =	vst v32;
	v31 =	vld [tilespmem:s18+$0x6890];
	v19 =	vadd.f32 v52, v43;
	v32 =	vmul.f32 v49, v1;
	v62 =	vadd.f32 v16, v7;
	s25 =	smul.f32 $1.562500000e-02, s25  }
0xd5: {  	s10 =	simm.s32 $0xC00;
	s12 =	sshll.u32 s19, $0x9;
	[tilespmem:s1+$0xA910] =	vst v37;
	v30 =	vld [tilespmem:s18+$0x6880];
	v63, _, _ =	vpop (xrf2);
	v43 =	vmul.f32 v18, v18;
	s18 =	smul.f32 s15, s15;
	v16 =	vadd.f32 v60, v33;
	v23 =	vadd.f32 v23, v42  }
0xd6: {  	s13 =	sshra.s32 s12, $0x2;
	s12 =	simm.s32 $0x6789;
	s0 =	simm.s32 $0x100;
	[tilespmem:s1+$0xA920] =	vst v39;
	v37 =	vld [tilespmem:s16+$0x0];
	(v2sf) =	vpush v63, $0xF;
	v36 =	vmul.f32 v61, v28;
	v33 =	vmul.f32 v48, v0  }
0xd7: {  	s17 =	simm.s32 $0x6;
	v39 =	vld [tilespmem:s16+$0x20];
	s3 =	simm.s32 $0x300;
	v40 =	vadd.f32 v18, v19;
	v42 =	vmul.f32 v19, v19;
	[tilespmem:s0+$0xA930] =	vst v62;
	s25 =	ssub.f32 s25, s18;
	v41 =	vadd.f32 v23, v16  }
.LBB2_3:
0xd8: {  	v44 =	vld [tilespmem:s12+$0x0];
	v45 =	vmul.f32 v16, v16;
	s2 =	sadd.s32 $0x2, s2;
	v27 =	vadd.f32 v27, v5;
	v36 =	vsub.f32 $1.500000000e+00, v36  }
0xd9: {  	v46 =	vmul.f32 v23, v23;
	v47 =	vld [tilespmem:s2+$0x0];
	v40 =	vadd.f32 v41, v40;
	v42 =	vadd.f32 v43, v42  }
0xda: {  	s18 =	sadd.f32 $9.999999740e-06, s25;
	v58 =	vld [tilespmem:s2+$0xFFFFFFFF];
	v25 =	vadd.f32 v25, v6;
	v26 =	vadd.f32 v26, v7  }
0xdb: {  	v61 =	vld [tilespmem:s12+$0xFFFFFFFF];
	v33 =	vadd.f32 v33, v4;
	v59 =	vadd.f32 v46, v45  }
0xdc: {  	v63 =	vld [tilespmem:s16+$0x30];
	[tilespmem:s1+$0xA890] =	vst v27;
	v60 =	vmov s18;
	v28 =	vmul.f32 v36, v28;
	v30 =	vadd.f32 v37, v30  }
0xdd: {  	(xrf2) =	vadd.scan.msk.f32 $0xffff, v40;
	v27 =	vld [tilespmem:s13+$0x6400];
	v62 =	vshrl.u32 v60, $0x1;
	v40 =	vmul.f32 $5.000000000e-01, v60;
	(v2sf) =	vpush v44, $0x0  }
0xde: {  	v48 =	vld [tilespmem:s13+$0x6410];
	v31 =	vadd.f32 v38, v31;
	v37 =	vsub.s32 $0x5F3759DF, v62;
	(v2sf) =	vpush v47, $0x0  }
0xdf: {  	v49 =	vld [tilespmem:s13+$0x6420];
	v42 =	vadd.f32 v59, v42;
	v45 =	vmul.f32 v37, v40;
	(v2sf) =	vpush v58, $0x0  }
0xe0: {  	v50 =	vld [tilespmem:s13+$0x6430];
	[tilespmem:s1+$0xA8A0] =	vst v25;
	v34 =	vadd.f32 v39, v34;
	(v2sf) =	vpush v61, $0x0  }
0xe1: {  	s4 =	sadd.s32 $0x2, s4;
	v24 =	vmul.f32 v28, v24;
	v25 =	vadd.f32 v63, v29;
	(xrf2) =	vadd.scan.msk.f32 $0xffff, v42;
	v39 =	vmul.f32 v37, v45  }
0xe2: {  	v35 =	vmul.f32 v35, v2;
	s18 =	smulhi.u32 $0x51EB851F, s4;
	[tilespmem:s1+$0xA8B0] =	vst v26;
	v26 =	vadd.f32 v27, v30;
	v27 =	vadd.f32 v32, v5  }
0xe3: {  	v24 =	vmul.f32 v24, v28;
	v30 =	vadd.f32 v48, v31;
	v29 =	vsub.f32 $1.500000000e+00, v39  }
0xe4: {  	s1 =	smov.u32 s0;
	s0 =	smov.u32 s31;
	s19 =	sshrl.u32 s18, $0x6;
	v31 =	vadd.f32 v35, v6;
	v51 =	vadd.f32 v49, v34  }
0xe5: {  	s31 =	smov.u32 s3;
	s3 =	smul.u32 $0xFFFE7000, s19;
	v25 =	vadd.f32 v50, v25;
	v24 =	vsub.f32 $1.500000000e+00, v24;
	s16 =	spop (v2sf);
	[tilespmem:s1+$0xA910] =	vst v27;
	v29 =	vmul.f32 v37, v29  }
0xe6: {  	s18 =	rddreg [dreg:$0x6];
	v52 =	vmul.f32 v26, v26;
	v27 =	vadd.f32 v30, v26;
	[tilespmem:s1+$0xA920] =	vst v31;
	v31 =	vmul.f32 v30, v30;
	s13 =	smul.f32 $1.562500000e-02, s16  }
0xe7: {  	s10 =	sadd.s32 $0x400, s10;
	s3 =	sshra.s32 s3, $0x2;
	v36 =	vmul.f32 v51, v51;
	v56 =	vadd.f32 v25, v51;
	s16 =	rddreg [dreg:$0x5];
	v54 =	vmul.f32 v29, v40  }
0xe8: {  	v57 =	vmul.f32 v25, v25;
	v28 =	vmul.f32 v24, v28;
	s3 =	sadd.s32 s3, s16;
	v53, _, _ =	vpop (xrf2);
	v55 =	vmov s13;
	s13 =	smul.f32 s13, s13;
	s20 =	spop (v2sf)  }
0xe9: {  	s19 =	rddreg [dreg:$0x7];
	v27 =	vadd.f32 v56, v27;
	s16 =	sadd.s32 s18, s3;
	(v2sf) =	vpush v53, $0xF;
	s25 =	smul.f32 $1.562500000e-02, s20;
	v35 =	vmul.f32 v54, v29  }
0xea: {  	[tilespmem:s1+$0xA900] =	vst v33;
	v31 =	vadd.f32 v31, v52;
	v59 =	vadd.f32 v57, v36;
	s3 =	sshra.s32 s10, $0x2;
	s16 =	sadd.s32 s19, s16  }
0xeb: {  	v60 =	vmul.f32 v28, v17;
	v17 =	vsub.f32 v14, v55;
	s16 =	sadd.s32 s3, s16;
	v58, _, _ =	vpop (xrf2);
	(xrf2) =	vadd.scan.msk.f32 $0xffff, v27;
	s13 =	ssub.f32 s25, s13;
	v24 =	vsub.f32 $1.500000000e+00, v35  }
0xec: {  	v50 =	vmul.f32 v28, v20;
	v61 =	vsub.f32 v15, v55;
	v62 =	vld [tilespmem:s16+$0x90];
	(v2sf) =	vpush v58, $0xF;
	s20 =	spop (v2sf)  }
0xed: {  	v14 =	vmovc v26;
	v26 =	vadd.f32 v59, v31;
	v31 =	vmul.f32 v28, v21;
	v63 =	vld [tilespmem:s16+$0xA0];
	s13 =	sadd.f32 $9.999999740e-06, s13;
	v29 =	vmul.f32 v24, v29;
	s25 =	spop (v2sf)  }
0xee: {  	v37 =	vsub.f32 v12, v55;
	v34 =	vmul.f32 v60, v0;
	v27 =	vsub.f32 v13, v55;
	v49 =	vld [tilespmem:s16+$0xB0];
	s18 =	sshll.u32 s20, $0x9;
	s20 =	sand.u32 $0x1, s25;
	s25 =	spop (v2sf)  }
0xef: {  	v15 =	vmovc v30;
	(xrf2) =	vadd.scan.msk.f32 $0xffff, v26;
	v26 =	vmul.f32 v28, v22;
	v35 =	vld [tilespmem:s16+$0x80];
	v47 =	vmov s13;
	v48 =	vmul.f32 v29, v40;
	s18 =	sshra.s32 s18, $0x2;
	s13 =	sshll.u32 s20, $0x6;
	s20 =	spop (v2sf)  }
0xf0: {  	v13 =	vmovc v51;
	v20 =	vmovc v27;
	v27 =	vmul.f32 v31, v1;
	v30 =	vshrl.u32 v47, $0x1;
	v24 =	vmul.f32 $5.000000000e-01, v47;
	s19 =	sand.u32 $0x1, s25;
	v51 =	vld [tilespmem:s18+$0x6400];
	s25 =	sshll.u32 s20, $0x9;
	s20 =	sadd.s32 s3, s13  }
0xf1: {  	v12 =	vmovc v25;
	v31 =	vmov s15;
	v30 =	vsub.s32 $0x5F3759DF, v30;
	v25 =	vmul.f32 v48, v29;
	v53 =	vld [tilespmem:s20+$0x6900]  }
0xf2: {  	v34 =	vadd.f32 v34, v4;
	v57 =	vsub.f32 v9, v31;
	v28 =	vmul.f32 v30, v24;
	v55 =	vld [tilespmem:s20+$0x6910]  }
0xf3: {  	v26 =	vmul.f32 v26, v3;
	v58 =	vsub.f32 v11, v31;
	v56 =	vld [tilespmem:s20+$0x6920];
	v54 =	vsub.f32 $1.500000000e+00, v25  }
0xf4: {  	v9 =	vmovc v19;
	v59 =	vsub.f32 v10, v31;
	v10 =	vmov v18;
	v19 =	vld [tilespmem:s20+$0x6930];
	v28 =	vmul.f32 v30, v28  }
0xf5: {  	v18 =	vsub.f32 v8, v31;
	v8 =	vmov v16;
	v52 =	vld [tilespmem:s18+$0x6410];
	v16, _, _ =	vpop (xrf2);
	v29 =	vmul.f32 v54, v29  }
0xf6: {  	v11 =	vmovc v23;
	v23 =	vld [tilespmem:s18+$0x6420];
	s19 =	sshll.u32 s19, $0x6;
	v25 =	vmul.f32 v50, v2;
	(v2sf) =	vpush v16, $0xF;
	v28 =	vsub.f32 $1.500000000e+00, v28  }
0xf7: {  	v22 =	vmovc v37;
	v60 =	vld [tilespmem:s18+$0x6430];
	s19 =	sadd.s32 s3, s19;
	v41 =	vmul.f32 v29, v57;
	v31 =	vmul.f32 v29, v58;
	v37 =	vadd.f32 v35, v53  }
0xf8: {  	s17 =	sadd.s32 $0x2, s17;
	v21 =	vmovc v61;
	s18 =	spop (v2sf);
	v28 =	vmul.f32 v30, v28;
	v30 =	vld [tilespmem:s19+$0x6880];
	v38 =	vadd.f32 v62, v55;
	v33 =	vadd.f32 v63, v56  }
0xf9: {  	p0 =	slt.u32 s17, $0x7E;
	s15 =	smul.f32 $1.562500000e-02, s18;
	v32 =	vadd.f32 v49, v19;
	v35 =	vmul.f32 v29, v18;
	v16 =	vmul.f32 v31, v3;
	v31 =	vld [tilespmem:s19+$0x6890];
	[tilespmem:s1+$0xA880] =	vst v34  }
.Ltmp0:
0xfa: {  	v62, _, _ =	vpop (xrf2);
	v61 =	vmul.f32 v28, v24;
	v19 =	vadd.f32 v51, v37;
	v18 =	vadd.f32 v52, v38;
	v34 =	vld [tilespmem:s19+$0x68A0];
	(pc) =	sbr.rel @p0 .LBB2_3-.Ltmp0, $4  }
0xfb: {  	s13 =	sshra.s32 s25, $0x2;
	v44 =	vmul.f32 v29, v59;
	s20 =	spop (v2sf);
	s25 =	smul.f32 s15, s15;
	(v2sf) =	vpush v62, $0xF;
	v29 =	vld [tilespmem:s19+$0x68B0];
	v63 =	vadd.f32 v16, v7  }
0xfc: {  	s18 =	smul.f32 $1.562500000e-02, s20;
	v37 =	vld [tilespmem:s16+$0x0];
	v36 =	vmul.f32 v61, v28;
	v16 =	vadd.f32 v23, v33;
	v23 =	vadd.f32 v60, v32  }
0xfd: {  	v38 =	vld [tilespmem:s16+$0x10];
	v33 =	vmul.f32 v41, v0;
	v40 =	vadd.f32 v18, v19;
	v32 =	vmul.f32 v44, v1  }
0xfe: {  	s12 =	sadd.s32 $0x2, s12;
	v39 =	vld [tilespmem:s16+$0x20];
	v42 =	vmul.f32 v19, v19;
	v43 =	vmul.f32 v18, v18;
	s25 =	ssub.f32 s18, s25;
	[tilespmem:s0+$0xA930] =	vst v63;
	v41 =	vadd.f32 v23, v16  }
0xff: {  	v44 =	vld [tilespmem:s16+$0x30]  }
0x100: {  	v45 =	vld [tilespmem:s13+$0x6400]  }
0x101: {  	v46 =	vmul.f32 v16, v16;
	v47 =	vmul.f32 v23, v23;
	v48 =	vld [tilespmem:s13+$0x6410]  }
0x102: {  	v49 =	vld [tilespmem:s13+$0x6420]  }
0x103: {  	v59 =	vld [tilespmem:s13+$0x6430];
	v42 =	vadd.f32 v43, v42;
	v58 =	vadd.f32 v47, v46  }
0x104: {  	v40 =	vadd.f32 v41, v40;
	v30 =	vadd.f32 v37, v30  }
0x105: {  	v31 =	vadd.f32 v38, v31;
	v60 =	vadd.f32 v58, v42  }
0x106: {  	v61 =	vadd.f32 v39, v34;
	v29 =	vadd.f32 v44, v29  }
0x107: {  	(xrf2) =	vadd.scan.msk.f32 $0xffff, v40;
	v34 =	vadd.f32 v45, v30;
	v31 =	vadd.f32 v48, v31  }
0x108: {  	v30 =	vadd.f32 v49, v61;
	v29 =	vadd.f32 v59, v29  }
0x109: {  	v62 =	vmul.f32 v34, v34;
	v63 =	vmul.f32 v31, v31  }
0x10a: {  	(xrf2) =	vadd.scan.msk.f32 $0xffff, v60;
	v45 =	vmul.f32 v30, v30;
	v46 =	vmul.f32 v29, v29  }
0x10b: {  	v47 =	vadd.f32 v31, v34;
	v48 =	vadd.f32 v29, v30  }
0x10c: {  	v37 =	vadd.f32 v63, v62;
	v49 =	vadd.f32 v46, v45  }
0x10d: {  	v50 =	vadd.f32 v48, v47  }
0x10e: {  	v37 =	vadd.f32 v49, v37  }
0x10f: {  	(xrf2) =	vadd.scan.msk.f32 $0xffff, v50  }
0x110: {  	(xrf2) =	vadd.scan.msk.f32 $0xffff, v37  }
0x111: {  	v51, _, _ =	vpop (xrf2)  }
0x112: {  	(v2sf) =	vpush v51, $0xF;
	_ =	sdelay $0x1  }
0x113: {  	v52, _, _ =	vpop (xrf2)  }
0x114: {  	(v2sf) =	vpush v52, $0xF;
	_ =	sdelay $0x3  }
0x115: {  	s2 =	sadd.f32 $9.999999740e-06, s25;
	v56, _, _ =	vpop (xrf2)  }
0x116: {  	s18 =	spop (v2sf);
	(v2sf) =	vpush v56, $0xF;
	v57, _, _ =	vpop (xrf2)  }
0x117: {  	v53 =	vmov s2;
	s10 =	smul.f32 $1.562500000e-02, s18;
	(v2sf) =	vpush v57, $0xF  }
0x118: {  	v54 =	vshrl.u32 v53, $0x1;
	v37 =	vmul.f32 $5.000000000e-01, v53  }
0x119: {  	v36 =	vsub.f32 $1.500000000e+00, v36;
	v38 =	vsub.s32 $0x5F3759DF, v54;
	s20 =	smul.f32 s10, s10;
	s4 =	spop (v2sf)  }
0x11a: {  	s19 =	smul.f32 $1.562500000e-02, s4;
	v55 =	vmul.f32 v38, v37  }
0x11b: {  	v28 =	vmul.f32 v36, v28  }
0x11c: {  	s2 =	ssub.f32 s19, s20;
	v39 =	vmul.f32 v38, v55  }
0x11d: {  	v27 =	vadd.f32 v27, v5;
	v24 =	vmul.f32 v28, v24;
	s25 =	spop (v2sf)  }
0x11e: {  	v25 =	vadd.f32 v25, v6;
	v35 =	vmul.f32 v35, v2;
	s12 =	sadd.f32 $9.999999740e-06, s2;
	v39 =	vsub.f32 $1.500000000e+00, v39;
	s2 =	smul.f32 $1.562500000e-02, s25  }
0x11f: {  	v26 =	vadd.f32 v26, v7;
	v33 =	vadd.f32 v33, v4;
	v24 =	vmul.f32 v24, v28  }
0x120: {  	v32 =	vadd.f32 v32, v5;
	v35 =	vadd.f32 v35, v6;
	v58 =	vmul.f32 v38, v39;
	s13 =	spop (v2sf);
	s16 =	smul.f32 s2, s2  }
0x121: {  	v24 =	vsub.f32 $1.500000000e+00, v24;
	v63 =	vmov s10;
	v59 =	vmov s12;
	s4 =	smul.f32 $1.562500000e-02, s13  }
0x122: {  	v61 =	vshrl.u32 v59, $0x1;
	v62 =	vmul.f32 $5.000000000e-01, v59;
	v38 =	vmul.f32 v58, v37  }
0x123: {  	v24 =	vmul.f32 v24, v28;
	v14 =	vsub.f32 v14, v63;
	v36 =	vsub.s32 $0x5F3759DF, v61;
	s4 =	ssub.f32 s4, s16  }
0x124: {  	v15 =	vsub.f32 v15, v63;
	v44 =	vmul.f32 v36, v62;
	v38 =	vmul.f32 v38, v58  }
0x125: {  	v13 =	vsub.f32 v13, v63;
	v17 =	vmul.f32 v24, v17;
	v21 =	vmul.f32 v24, v21;
	s17 =	sadd.f32 $9.999999740e-06, s4;
	s18 =	spop (v2sf)  }
0x126: {  	v20 =	vmul.f32 v24, v20;
	v45 =	vmul.f32 v36, v44;
	v38 =	vsub.f32 $1.500000000e+00, v38;
	s4 =	smul.f32 $1.562500000e-02, s18;
	s19 =	spop (v2sf)  }
0x127: {  	v12 =	vsub.f32 v12, v63;
	v22 =	vmul.f32 v24, v22;
	v17 =	vmul.f32 v17, v0;
	s20 =	smul.f32 $1.562500000e-02, s19  }
0x128: {  	v21 =	vmul.f32 v21, v1;
	v24 =	vsub.f32 $1.500000000e+00, v45;
	v60 =	vmul.f32 v38, v58;
	s25 =	smul.f32 s4, s4  }
0x129: {  	v49 =	vmov s15;
	v20 =	vmul.f32 v20, v2;
	v22 =	vmul.f32 v22, v3  }
0x12a: {  	v24 =	vmul.f32 v36, v24;
	v37 =	vmul.f32 v60, v37;
	v46 =	vmov s17;
	s10 =	ssub.f32 s20, s25  }
0x12b: {  	v9 =	vsub.f32 v9, v49;
	v47 =	vshrl.u32 v46, $0x1;
	v40 =	vmul.f32 $5.000000000e-01, v46  }
0x12c: {  	v51 =	vmul.f32 v24, v62;
	v37 =	vmul.f32 v37, v60;
	v41 =	vsub.s32 $0x5F3759DF, v47;
	s10 =	sadd.f32 $9.999999740e-06, s10  }
0x12d: {  	v11 =	vsub.f32 v11, v49;
	v10 =	vsub.f32 v10, v49;
	v48 =	vmul.f32 v41, v40  }
0x12e: {  	v42 =	vmul.f32 v51, v24;
	v37 =	vsub.f32 $1.500000000e+00, v37;
	v52 =	vmov s10  }
0x12f: {  	v50 =	vmul.f32 v41, v48;
	v53 =	vshrl.u32 v52, $0x1;
	v43 =	vmul.f32 $5.000000000e-01, v52  }
0x130: {  	v8 =	vsub.f32 v8, v49;
	v42 =	vsub.f32 $1.500000000e+00, v42;
	v54 =	vsub.s32 $0x5F3759DF, v53  }
0x131: {  	v28 =	vmul.f32 v37, v60;
	v37 =	vsub.f32 $1.500000000e+00, v50;
	v44 =	vmul.f32 v54, v43  }
0x132: {  	v17 =	vadd.f32 v17, v4;
	v21 =	vadd.f32 v21, v5;
	v24 =	vmul.f32 v42, v24  }
0x133: {  	v20 =	vadd.f32 v20, v6;
	v37 =	vmul.f32 v41, v37;
	v56 =	vmul.f32 v54, v44  }
0x134: {  	v22 =	vadd.f32 v22, v7;
	v38 =	vmov s2;
	v58 =	vmul.f32 v24, v62  }
0x135: {  	v9 =	vmul.f32 v28, v9;
	v55 =	vmul.f32 v37, v40;
	v36 =	vsub.f32 $1.500000000e+00, v56  }
0x136: {  	v18 =	vsub.f32 v18, v38;
	v11 =	vmul.f32 v28, v11;
	v10 =	vmul.f32 v28, v10  }
0x137: {  	v51 =	vsub.f32 v16, v38;
	v57 =	vmul.f32 v55, v37;
	v36 =	vmul.f32 v54, v36  }
0x138: {  	v46 =	vsub.f32 v19, v38;
	v8 =	vmul.f32 v28, v8;
	v28 =	vmul.f32 v58, v24  }
0x139: {  	[tilespmem:s1+$0xA890] =	vst v27;
	v11 =	vmul.f32 v11, v3;
	v59 =	vsub.f32 $1.500000000e+00, v57;
	v61 =	vmul.f32 v36, v43  }
0x13a: {  	[tilespmem:s1+$0xA8A0] =	vst v25;
	v9 =	vmul.f32 v9, v0;
	v10 =	vmul.f32 v10, v1;
	v60 =	vsub.f32 $1.500000000e+00, v28  }
0x13b: {  	[tilespmem:s0+$0xA900] =	vst v33;
	v33 =	vmov s4;
	v37 =	vmul.f32 v59, v37;
	v63 =	vmul.f32 v61, v36  }
0x13c: {  	[tilespmem:s0+$0xA920] =	vst v35;
	v8 =	vmul.f32 v8, v2;
	v35 =	vsub.f32 v34, v33;
	v24 =	vmul.f32 v60, v24  }
0x13d: {  	[tilespmem:s1+$0xA8B0] =	vst v26;
	v42 =	vsub.f32 v31, v33;
	v62 =	vmul.f32 v37, v40;
	v26 =	vsub.f32 $1.500000000e+00, v63  }
0x13e: {  	[tilespmem:s0+$0xA910] =	vst v32;
	v45 =	vsub.f32 v29, v33;
	v11 =	vadd.f32 v11, v7;
	v14 =	vmul.f32 v24, v14  }
0x13f: {  	[tilespmem:s0+$0xA880] =	vst v17;
	v9 =	vadd.f32 v9, v4;
	v25 =	vmul.f32 v62, v37;
	v26 =	vmul.f32 v26, v36  }
0x140: {  	[tilespmem:s0+$0xA890] =	vst v21;
	v10 =	vadd.f32 v10, v5;
	v15 =	vmul.f32 v24, v15;
	v39 =	vmul.f32 v24, v12  }
0x141: {  	[tilespmem:s0+$0xA8A0] =	vst v20;
	v13 =	vmul.f32 v24, v13;
	v25 =	vsub.f32 $1.500000000e+00, v25;
	v43 =	vmul.f32 v26, v43  }
0x142: {  	[tilespmem:s0+$0xA8B0] =	vst v22;
	v8 =	vadd.f32 v8, v6;
	v14 =	vmul.f32 v14, v0;
	v48 =	vmul.f32 v39, v3  }
0x143: {  	[tilespmem:s31+$0xA930] =	vst v11;
	v41 =	vsub.f32 v23, v38;
	v40 =	vmul.f32 v25, v37;
	v24 =	vmul.f32 v43, v26  }
0x144: {  	[tilespmem:s31+$0xA900] =	vst v9;
	v15 =	vmul.f32 v15, v1;
	v13 =	vmul.f32 v13, v2;
	v49 =	vadd.f32 v14, v4  }
0x145: {  	[tilespmem:s31+$0xA910] =	vst v10;
	v10 =	vadd.f32 v48, v7;
	v23 =	vmul.f32 v40, v41;
	v50 =	vsub.f32 $1.500000000e+00, v24  }
0x146: {  	[tilespmem:s31+$0xA920] =	vst v8;
	v55 =	vadd.f32 v13, v6;
	v8 =	vmul.f32 v40, v46;
	v53 =	vmul.f32 v40, v18  }
0x147: {  	v44 =	vsub.f32 v30, v33;
	[tilespmem:s31+$0xA880] =	vst v49;
	v47 =	vmul.f32 v23, v3;
	v14 =	vmul.f32 v50, v26  }
0x148: {  	[tilespmem:s31+$0xA8B0] =	vst v10;
	v54 =	vadd.f32 v15, v5;
	v9 =	vmul.f32 v40, v51;
	v8 =	vmul.f32 v8, v0  }
0x149: {  	[tilespmem:s31+$0xA8A0] =	vst v55;
	v56 =	vmul.f32 v53, v1;
	v52 =	vadd.f32 v47, v7;
	v57 =	vmul.f32 v14, v35  }
0x14a: {  	[tilespmem:s31+$0xA890] =	vst v54;
	v9 =	vmul.f32 v9, v2;
	v8 =	vadd.f32 v8, v4;
	v58 =	vmul.f32 v14, v42  }
0x14b: {  	v59 =	vadd.f32 v56, v5;
	[tilespmem:s3+$0xA930] =	vst v52;
	v60 =	vmul.f32 v14, v44;
	v11 =	vmul.f32 v57, v0  }
0x14c: {  	[tilespmem:s3+$0xA900] =	vst v8;
	v8 =	vadd.f32 v9, v6;
	v61 =	vmul.f32 v14, v45;
	v12 =	vmul.f32 v58, v1  }
0x14d: {  	[tilespmem:s3+$0xA910] =	vst v59;
	v62 =	vmul.f32 v60, v2;
	v11 =	vadd.f32 v11, v4  }
0x14e: {  	[tilespmem:s3+$0xA920] =	vst v8;
	v8 =	vmul.f32 v61, v3;
	v63 =	vadd.f32 v12, v5  }
0x14f: {  	v10 =	vadd.f32 v62, v6;
	[tilespmem:s3+$0xA880] =	vst v11  }
0x150: {  	s29 =	sadd.s32 $0x1, s29;
	v8 =	vadd.f32 v8, v7;
	[tilespmem:s3+$0xA890] =	vst v63  }
0x151: {  	p0 =	sne.s32 s29, $0xC8;
	s31 =	sshll.u32 s30, $0x4;
	[tilespmem:s3+$0xA8A0] =	vst v10  }
.Ltmp1:
0x152: {  	s0 =	sadd.s32 s11, s31;
	[tilespmem:s3+$0xA8B0] =	vst v8;
	(pc) =	sbr.rel @p0 .LBB2_2-.Ltmp1, $4  }
0x153: {  	[hbm4b:s0+s5] =	stream.linear.scatter [tilespmem:s24], [sflag:$0x2], $0x4000, $0x38;
	[tilespmem:$0xE880] =	vst v63  }
0x154: {  	_ =	swait.ge [sflag:s14], $0x4000  }
0x155: {  	[sflag:s14] =	ssyncset.done $0x0  }
0x156: {  	s28 =	sadd.s32 $0x10000, s28;
	s26 =	sadd.s32 $0x80, s26;
	[sflag:s14] =	ssyncadd.s32 $0xFFFFC000  }
0x157: {  	s1 =	rddreg [dreg:$0xb]  }
0x158: {  	s0 =	rddreg [dreg:$0x9];
	s1 =	sadd.s32 $0x1, s1  }
0x159: {  	p0 =	sne.s32 s1, s0  }
.Ltmp2:
0x15a: {  	_ = 	snop;
	(pc) =	sbr.rel @p0 .LBB2_1-.Ltmp2, $1  }
0x15b: {  	_ =	sdelay $0x3  }
0x15c: {  	_ =	sfence.sel $0x180000  }
0x15d: {  	[bflag:$0x0] =	sbarrier.arrive $0xFFFF  }
0x15e: {  	_ =	strace $0x90000047  }
0x15f: {  	s0 =	stileid.u32;
	[bflag:$0x2] =	sbarrier.arrive $0xFFFF  }
0x160: {  	p0 =	sne.s32 s0, $0x0;
	s0 =	rddreg [dreg:$0x4]  }
0x161: {  	s0 =	sadd.s32 @!p0 $0x100000, s0  }
0x162: {  	[sflag:s0] =	ssyncadd.tile.s32 @!p0 $0x1;
	_ =	shalt  }
.Lfunc_end2:
_tile_overlayer_lowered:
.L_overlay_start_2:
0x163: {  	(tag) =	ssettag $0x2  }
0x164: {  	s0 =	rddreg [dreg:$0x0];
	s2 =	stileid.u32  }
0x165: {  	s1 =	rddreg [dreg:$0x1];
	p0 =	sne.s32 s2, $0x0  }
0x166: {  	s3 =	rddreg [dreg:$0x2];
	[bflag:$0x3] =	sbarrier.arrive $0xFFFF;
	s2 =	simm.s32 @!p0 $0x1C02  }
0x167: {  	[timem:s3], [sflag:s2] =	dma.local @!p0 [hbm:s0], s1  }
0x168: {  	s0 =	simm.s32 @!p0 $0x2  }
0x169: {  	_ =	swait.ge @!p0 [sflag:s0], s1  }
0x16a: {  	s1 =	ssub.s32 @!p0 $0x0, s1;
	[sflag:s0] =	ssyncset.done @!p0 $0x0  }
0x16b: {  	[sflag:s0] =	ssyncadd.s32 @!p0 s1  }
0x16c: {  	[bflag:$0x3] =	sbarrier.arrive $0xFFFF  }
0x16d: {  	_ =	shalt  }

// kernel: sparse-core-data-format-call.cloned.1.call-start
scs
called_computation_lowered:
.L_overlay_start_0:
0x0: {  	s2 =	sld [smem:$0x3FD9]  }
0x1: {  	s3 =	sld [smem:$0x3FFE];
	_ =	sdelay $0x1  }
0x2: {  	s1 =	srdreg.scid  }
0x3: {  	s0 =	sand.u32 $0x1, s1  }
0x4: {  	s18 =	sshll.u32 s0, $0xA;
	s2 =	sadd.s32 s3, s2  }
0x5: {  	s2 =	sadd.s32 s2, s18  }
0x6: {  	[smem:$0x3FC1] =	sst s2  }
0x7: {  	_ = 	snop  }
0x8: {  	s2 =	sld [smem:$0x3FD0];
	(tm) =	ssettm $0x1  }
0x9: {  	s19 =	sld [smem:$0x3FFB];
	_ =	sdelay $0x3  }
0xa: {  	_ =	strace s19  }
0xb: {  	s3 =	sld [smem:$0x3FFC];
	_ =	sdelay $0x3  }
0xc: {  	_ =	strace s3  }
0xd: {  	s3 =	sld [smem:$0x3FFD];
	_ =	sdelay $0x3  }
0xe: {  	_ =	strace s3  }
0xf: {  	_ =	strace $0x8FFFFFFF  }
0x10: {  	s20 =	sld [smem:$0x3FDB];
	_ =	sdelay $0x1  }
0x11: {  	s4 =	simm.s32 $_scs_section_size  }
0x12: {  	s5 =	simm.s32 $_size__tile_overlayer_lowered;
	s6 =	simm.s32 $_tile_overlayer_lowered  }
0x13: {  	s23 =	simm.s32 $0x1BFF;
	s22 =	sshll.u32 s6, $0x1;
	s3 =	sadd.s32 s4, s20  }
0x14: {  	s7 =	simm.s32 $0x0;
	s21 =	sshll.u32 s5, $0x1;
	s5 =	sadd.s32 s22, s3  }
0x15: {  	[timem:s7], [sflag:s23] =	dma.local [hbm:s5], s21  }
0x16: {  	_ =	swait.ge [sflag:s23], s21  }
0x17: {  	s4 =	ssub.s32 $0x0, s21;
	[sflag:s23] =	ssyncset.done $0x0  }
0x18: {  	[sflag:s23] =	ssyncadd.s32 s4;
	_ =	sdelay $0x1  }
0x19: {  	s24 =	simm.s32 $0x1B8B  }
0x1a: {  	_ =	swait.ge [sflag:s24], $0x1  }
0x1b: {  	[sflag:s24] =	ssyncset.done $0x0  }
0x1c: {  	s26 =	simm.s32 $0x1B8E;
	s25 =	sld [smem:$0x3FFE];
	[sflag:s24] =	ssyncadd.s32 $0xFFFFFFFF  }
0x1d: {  	s27 =	simm.s32 $execute0_lowered;
	[smem:$0x3FD2] =	sst s26  }
0x1e: {  	s5 =	sshll.u32 s27, $0x1;
	_ =	strace $0x80000049;
	[dreg:$0x1] =	wrdreg $0xFFFFFFFF  }
0x1f: {  	s28 =	simm.s32 $_size_execute0_lowered;
	s3 =	sadd.s32 s3, s5;
	[dreg:$0x0] =	wrdreg $0x0  }
0x20: {  	s5 =	sshll.u32 s28, $0x1;
	[dreg:$0x2] =	wrdreg s3  }
0x21: {  	[dreg:$0x3] =	wrdreg s5  }
0x22: {  	[dreg:$0x4] =	wrdreg $0xC0  }
0x23: {  	_ =	task [dreg:s7], $0x5FFFF  }
0x24: {  	[dreg:$0x1] =	wrdreg $0xFFFFFFFF  }
0x25: {  	[dreg:$0x0] =	wrdreg $0x60  }
0x26: {  	[dreg:$0x2] =	wrdreg s25  }
0x27: {  	[dreg:$0x3] =	wrdreg s2  }
0x28: {  	[dreg:$0x4] =	wrdreg $0x9  }
0x29: {  	_ =	task.clear_ibuf [dreg:s7], $0x5FFFF;
	_ =	strace $0x90000049  }
0x2a: {  	s29 =	simm.s32 $0x9;
	_ =	strace $0x8000004B  }
0x2b: {  	_ =	swait.ge [sflag:s29], $0x1  }
0x2c: {  	[sflag:s29] =	ssyncadd.s32 $0xFFFFFFFF  }
0x2d: {  	_ =	strace $0x9000004B  }
0x2e: {  	_ =	sfence  }
0x2f: {  	s30 =	sld [smem:$0x0];
	_ =	sdelay $0x2  }
0x30: {  	s31 =	sshll.u32 s1, $0xD;
	s1 =	sshrl.u32 s1, $0x2  }
0x31: {  	s3 =	sand.u32 $0x4000, s31;
	s1 =	sadd.s32 s1, s30  }
0x32: {  	s0 =	sor.u32 s3, s0;
	s1 =	sshll.u32 s1, $0x11  }
0x33: {  	s0 =	sor.u32 s1, s0  }
0x34: {  	s0 =	sadd.s32 $0x8F2B, s0  }
0x35: {  	[sflag:s0] =	ssyncadd.remote.s32 $0x1  }
0x36: {  	_ =	sfence.sel $0xFFFF  }
0x37: {  	[dreg:$0x0] =	wrdreg $0xFFFFFFFF;
	(pc) =	sbr.abs _section_cstart, $3  }
0x38: {  	[dreg:$0x1] =	wrdreg $0xFFFFFFFF  }
0x39: {  	_ =	task.clear_ibuf [dreg:s7], $0x2FFFF;
	_ =	strace $0x9FFFFFFF  }
0x3a: {  	(tm) =	ssettm $0x7FFFFFFF  }
0x3b: {  	_ =	shalt  }
tec
execute0_lowered:
.L_overlay_start_1:
0x0: {  	(tag) =	ssettag $0x1  }
0x1: {  	s0 =	srdreg.scid  }
0x2: {  	s1 =	sshll.u32 s0, $0x4  }
0x3: {  	s0 =	stileid.u32;
	s1 =	sand.u32 $0x10, s1  }
0x4: {  	s1 =	sor.u32 s0, s1  }
0x5: {  	s6 =	rddreg [dreg:$0x0];
	s4 =	simm.s32 $0x1;
	s2 =	sshll.u32 s1, $0x7  }
0x6: {  	s7 =	simm.s32 $0x2;
	s12 =	simm.s32 $0x0;
	s1 =	ssub.s32 $0x1000, s2  }
0x7: {  	s8 =	simm.s32 $0x8000;
	s13 =	simm.s32 $0x0;
	s3 =	sand.u32 $0xF80, s1  }
0x8: {  	s9 =	simm.s32 $0x0;
	s5 =	sshrl.u32 s1, $0xC;
	p0 =	sne.s32 s3, $0x0  }
.Ltmp0:
0x9: {  	s1 =	rddreg [dreg:$0x2];
	s4 =	simm.s32 @!p0 $0x0;
	(pc) =	sbr.rel .LBB1_1-.Ltmp0, $4  }
0xa: {  	s11 =	simm.s32 $0x0;
	s3 =	rddreg [dreg:$0x1];
	s5 =	sadd.s32 s4, s5  }
0xb: {  	_ =	strace $0x8000004A;
	s4 =	simm.s32 $0x1;
	s5 =	smul.u32 $0xC8, s5  }
0xc: {  	s6 =	sadd.s32 $0xF8200, s6;
	s10 =	smov.u32 s2;
	[sflag:s4] =	ssyncpa.u1 $0x0  }
0xd: {  	p0 =	por $0x0, $0x0;
	[sflag:s7] =	ssyncpa.u1 $0x0;
	s7 =	sor.u32 $0x1, s5  }
.LBB1_4:
0xe: {  	s16 =	sshll.u32 s13, $0x3;
	s17 =	sand.u32 $0x78, s13  }
0xf: {  	s30 =	sand.u32 $0x7E00, s13;
	s12 =	sshll.u32 s12, $0xF;
	s16 =	sand.u32 $0xC00, s16  }
0x10: {  	[tilespmem:s15+$0x810 ss:$0x81] =	vst.msk $0xffff, v2;
	s31 =	sand.u32 $0x7, s13;
	s16 =	sor.u32 s17, s16;
	s17 =	sadd.s32 s3, s30  }
0x11: {  	[tilespmem:s15+$0x1020 ss:$0x81] =	vst.msk $0xffff, v0;
	s13 =	sshll.u32 s31, $0x12;
	s12 =	sadd.s32 s12, s17;
	s16 =	sshrl.u32 s16, $0x3  }
0x12: {  	[tilespmem:s15+$0x0 ss:$0x81] =	vst.msk $0xffff, v1;
	s13 =	sor.u32 $0x400, s13;
	s12 =	sadd.s32 s16, s12  }
0x13: {  	[hbm4b:s12+s13] =	stream.strided.scatter [tilespmem:s14], [sflag:$0x2], $0x2000, s8, s13, $0x20;
	[tilespmem:$0x8080] =	vst v63  }
.LBB1_5:
0x14: {  	s14 =	sadd.s32 $0x1, s9  }
0x15: {  	s12 =	sadd.s32 $0x1000, s10;
	s16 =	smov.u32 s10;
	p2 =	sgt.s32 s14, $0xC7  }
0x16: {  	s16 =	smov.u32 @p2 s12  }
0x17: {  	s14 =	simm.s32 @p2 $0x0;
	p2 =	sgt.s32 s16, $0xFFF  }
0x18: {  	s16 =	smov.u32 @p2 s2;
	p2 =	sne.s32 s11, s7  }
.Ltmp1:
0x19: {  	p1 =	slt.u32 s11, $0x2;
	(pc) =	sbr.rel @!p2 .LBB1_6-.Ltmp1, $4  }
0x1a: {  	s15 =	simm.s32 @!p1 $0x2  }
0x1b: {  	s13 =	smov.u32 s10;
	p0 =	por !p0, !p0;
	_ =	swait.ge @!p1 [sflag:s15], $0x2000  }
0x1c: {  	s12 =	smov.u32 s9;
	[sflag:s15] =	ssyncset.done @!p1 $0x0;
	s9 =	smov.u32 s14  }
0x1d: {  	s11 =	sadd.s32 $0x1, s11;
	[sflag:s15] =	ssyncadd.s32 @!p1 $0xFFFFE000;
	s10 =	smov.u32 s16  }
.LBB1_1:
0x1e: {  	p1 =	sge.u32 s11, s5  }
0x1f: {  	s14 =	sand.u32 @!p1 $0x1FFFFFF, s9  }
0x20: {  	s15 =	smulhi.u32 @!p1 $0x147AE15, s14;
	_ =	sdelay $0x1  }
0x21: {  	s15 =	smul.u32 @!p1 $0xC8, s15  }
0x22: {  	s16 =	sxor.u32 @!p1 $0xFFFFFFFF, s11;
	s17 =	smul.u32 @!p1 $0xC80, s10  }
0x23: {  	s31 =	sadd.s32 $0xFFFFFFFF, s11;
	s16 =	sshll.u32 @!p1 s16, $0xD;
	s14 =	ssub.s32 @!p1 s14, s15  }
0x24: {  	s15 =	sand.u32 @!p1 $0x2000, s16;
	s16 =	sadd.s32 @!p1 s6, s17;
	s14 =	sshll.u32 @!p1 s14, $0x4  }
0x25: {  	s17 =	simm.s32 @!p1 $0x6400;
	s14 =	sadd.s32 @!p1 s14, s16;
	s16 =	simm.s32 @!p1 $0x40  }
0x26: {  	[tilespmem:s15], [sflag:$0x1] =	stream.strided.gather @!p1 [hbm4b:s14+s16], $0x2000, s17, s16, $0x38;
	[tilespmem:$0x8080] =	vst v63  }
0x27: {  	p1 =	sge.u32 s31, s5  }
.Ltmp2:
0x28: {  	_ = 	snop;
	(pc) =	sbr.rel @p1 .LBB1_5-.Ltmp2, $1  }
0x29: {  	_ =	sdelay $0x3  }
0x2a: {  	s14 =	simm.s32 $0x1  }
0x2b: {  	_ =	swait.ge [sflag:s4], $0x2000;
	s14 =	simm.s32 @!p0 $0x0  }
0x2c: {  	[sflag:s4] =	ssyncset.done $0x0;
	s15 =	sshll.u32 s14, $0xD  }
0x2d: {  	[sflag:s4] =	ssyncadd.s32 $0xFFFFE000;
	s18 =	sor.u32 $0x20, s15  }
0x2e: {  	s14 =	smul.u32 $0x8100, s14;
	v3 =	vld [tilespmem:s18+$0x10]  }
0x2f: {  	s30 =	sand.u32 $0x1, s11;
	v2 =	vld [tilespmem:s18+$0xFFFFFFF0]  }
0x30: {  	s15 =	smul.u32 $0x8100, s30;
	s14 =	sshrl.u32 s14, $0x2;
	v0 =	vld [tilespmem:s18+$0x0]  }
0x31: {  	v1 =	vld [tilespmem:s18+$0xFFFFFFE0];
	s16 =	sor.u32 $0x4000, s14  }
0x32: {  	s31 =	sshrl.u32 s15, $0x2;
	s15 =	sadd.s32 $0x0, s16  }
0x33: {  	s17 =	simm.s32 $0x4;
	s18 =	sadd.s32 $0x40, s18;
	s14 =	sor.u32 $0x4000, s31;
	[tilespmem:s15+$0x1830 ss:$0x81] =	vst.msk $0xffff, v3  }
.LBB1_3:
0x34: {  	v3 =	vld [tilespmem:s18+$0x10];
	p1 =	sne.s32 s17, $0x1FC;
	[tilespmem:s15+$0x810 ss:$0x81] =	vst.msk $0xffff, v2;
	s19 =	smov.u32 s17;
	s17 =	sadd.s32 $0x4, s17  }
.Ltmp3:
0x35: {  	v2 =	vld [tilespmem:s18+$0xFFFFFFF0];
	[tilespmem:s15+$0x1020 ss:$0x81] =	vst.msk $0xffff, v0;
	(pc) =	sbr.rel @p1 .LBB1_3-.Ltmp3, $4  }
0x36: {  	v0 =	vld [tilespmem:s18+$0x0];
	[tilespmem:s15+$0x0 ss:$0x81] =	vst.msk $0xffff, v1  }
0x37: {  	s15 =	sshra.s32 s19, $0x2;
	v1 =	vld [tilespmem:s18+$0xFFFFFFE0]  }
0x38: {  	s15 =	sadd.s32 s15, s16  }
0x39: {  	s18 =	sadd.s32 $0x40, s18;
	[tilespmem:s15+$0x1830 ss:$0x81] =	vst.msk $0xffff, v3  }
.Ltmp4:
0x3a: {  	_ = 	snop;
	(pc) =	sbr.rel .LBB1_4-.Ltmp4, $1  }
0x3b: {  	_ =	sdelay $0x3  }
.LBB1_6:
0x3c: {  	_ =	sfence.sel $0x180000  }
0x3d: {  	s2 =	simm.s32 $0x1;
	[bflag:$0x0] =	sbarrier.arrive $0xFFFF  }
0x3e: {  	s31 =	simm.s32 $0x2;
	[sflag:s2] =	ssyncpa.u1 $0x1  }
0x3f: {  	[sflag:s31] =	ssyncpa.u1 $0x1  }
0x40: {  	p0 =	sne.s32 s0, $0x0;
	_ =	strace $0x9000004A  }
0x41: {  	s0 =	sadd.s32 @!p0 $0x100000, s1;
	[bflag:$0x2] =	sbarrier.arrive $0xFFFF  }
0x42: {  	[sflag:s0] =	ssyncadd.tile.s32 @!p0 $0x1;
	_ =	shalt  }
.Lfunc_end1:
_tile_overlayer_lowered:
.L_overlay_start_2:
0x43: {  	(tag) =	ssettag $0x2  }
0x44: {  	s0 =	rddreg [dreg:$0x0];
	s2 =	stileid.u32  }
0x45: {  	s1 =	rddreg [dreg:$0x1];
	p0 =	sne.s32 s2, $0x0  }
0x46: {  	s3 =	rddreg [dreg:$0x2];
	[bflag:$0x3] =	sbarrier.arrive $0xFFFF;
	s2 =	simm.s32 @!p0 $0x1C01  }
0x47: {  	[timem:s3], [sflag:s2] =	dma.local @!p0 [hbm:s0], s1  }
0x48: {  	s0 =	simm.s32 @!p0 $0x1  }
0x49: {  	_ =	swait.ge @!p0 [sflag:s0], s1  }
0x4a: {  	s1 =	ssub.s32 @!p0 $0x0, s1;
	[sflag:s0] =	ssyncset.done @!p0 $0x0  }
0x4b: {  	[sflag:s0] =	ssyncadd.s32 @!p0 s1  }
0x4c: {  	[bflag:$0x3] =	sbarrier.arrive $0xFFFF  }
0x4d: {  	_ =	shalt  }

</sc_bundles>
